<compile_context>
chip_gen: v7x
topology: tpu7x:2x2x1
jax: 0.10.2.dev20260603
libtpu: 0.0.44.dev20260713+nightly
codegen_flags: <defaults>
</compile_context>

<pallas_src>
import functools

import jax
import jax.numpy as jnp
from jax import lax
from jax.experimental import pallas as pl
from jax.experimental.pallas import tpu as pltpu
from jax.experimental.pallas import tpu_sc as plsc

_E = 8
_D = 1024
_R = 128
_H = 4096
_T = 4096
_BT = 256
_NTB = _T // _BT
_TP = _T + _E * _BT
_NB = _TP // _BT
_NH = 4
_BH = _H // _NH

_NW = 32
_CPW = _T // _NW
_RC = 32
_NCH = _CPW // _RC


def _routing_body(hs_ref, wr_ref, norms_ref, idx_ref, rank_ref,
                  counts_ref, smsum_ref, bl_ref, wrb_ref):
    i = pl.program_id(0)

    @pl.when(i == 0)
    def _init():
        counts_ref[...] = jnp.zeros_like(counts_ref)
        smsum_ref[...] = jnp.zeros_like(smsum_ref)
        wrb_ref[...] = wr_ref[...].astype(jnp.bfloat16)

    hs = hs_ref[...]
    acts = jnp.dot(hs.astype(jnp.bfloat16), wrb_ref[...],
                   preferred_element_type=jnp.float32)
    sq = (acts * acts).reshape(_BT, _E, _R)
    norms = jnp.sqrt(jnp.sum(sq, axis=2))
    norms_ref[...] = norms

    m = jnp.max(norms, axis=1, keepdims=True)
    ex = jnp.exp(norms - m)
    sm = ex / jnp.sum(ex, axis=1, keepdims=True)
    smsum_ref[...] += jnp.sum(sm, axis=0)[None, :]

    iota_e = lax.broadcasted_iota(jnp.int32, (_BT, _E), 1)
    eidx = jnp.min(jnp.where(norms == m, iota_e, _E), axis=1).astype(jnp.int32)
    onehot = (eidx[:, None] == iota_e).astype(jnp.float32)

    carry = counts_ref[...]
    r_iota = lax.broadcasted_iota(jnp.int32, (_BT, _BT), 0)
    c_iota = lax.broadcasted_iota(jnp.int32, (_BT, _BT), 1)
    tril = (c_iota < r_iota).astype(jnp.bfloat16)
    prefix = jnp.dot(tril, onehot.astype(jnp.bfloat16),
                     preferred_element_type=jnp.float32)
    rank = jnp.sum((prefix + carry) * onehot, axis=1)
    idx_ref[...] = eidx.reshape(1, 1, _BT)
    rank_ref[...] = rank.astype(jnp.int32).reshape(1, 1, _BT)
    counts_ref[...] = carry + jnp.sum(onehot, axis=0)[None, :]

    @pl.when(i == pl.num_programs(0) - 1)
    def _finish():
        val = (jnp.sum(counts_ref[...] * smsum_ref[...])
               * (float(_E) / float(_T * _T)))
        bl_ref[...] = val.reshape(1, 1)


def _routing(hs_flat, wr_flat):
    return pl.pallas_call(
        _routing_body,
        grid=(_NTB,),
        in_specs=[
            pl.BlockSpec((_BT, _D), lambda i: (i, 0)),
            pl.BlockSpec((_D, _E * _R), lambda i: (0, 0)),
        ],
        out_specs=[
            pl.BlockSpec((_BT, _E), lambda i: (i, 0)),
            pl.BlockSpec((1, 1, _BT), lambda i: (i, 0, 0)),
            pl.BlockSpec((1, 1, _BT), lambda i: (i, 0, 0)),
            pl.BlockSpec((1, _E), lambda i: (0, 0)),
            pl.BlockSpec((1, _E), lambda i: (0, 0)),
            pl.BlockSpec((1, 1), lambda i: (0, 0)),
        ],
        out_shape=[
            jax.ShapeDtypeStruct((_T, _E), jnp.float32),
            jax.ShapeDtypeStruct((_NTB, 1, _BT), jnp.int32),
            jax.ShapeDtypeStruct((_NTB, 1, _BT), jnp.int32),
            jax.ShapeDtypeStruct((1, _E), jnp.float32),
            jax.ShapeDtypeStruct((1, _E), jnp.float32),
            jax.ShapeDtypeStruct((1, 1), jnp.float32),
        ],
        scratch_shapes=[pltpu.VMEM((_D, _E * _R), jnp.bfloat16)],
        compiler_params=pltpu.CompilerParams(
            dimension_semantics=("arbitrary",)),
    )(hs_flat, wr_flat)


def _sc_dest(eidx_v, rank_v, starts_v, dest_v):
    s_e = [starts_v[e, :] for e in range(_E)]
    for j in range(_CPW // 16):
        ev = eidx_v[pl.ds(j * 16, 16)]
        rv = rank_v[pl.ds(j * 16, 16)]
        res = rv
        for e in range(_E):
            res = jnp.where(ev == e, rv + s_e[e], res)
        dest_v[j // (_RC // 16), pl.ds((j % (_RC // 16)) * 16, 16)] = res


def _sc_common_scratch():
    return [
        pltpu.VMEM((_CPW,), jnp.int32),
        pltpu.VMEM((_CPW,), jnp.int32),
        pltpu.VMEM((_E, 16), jnp.int32),
        pltpu.VMEM((_NCH, _RC), jnp.int32),
        pltpu.VMEM((_RC, _D), jnp.float32),
        pltpu.VMEM((_RC, _D), jnp.float32),
        pltpu.SemaphoreType.DMA,
        pltpu.SemaphoreType.DMA,
        pltpu.SemaphoreType.DMA,
        pltpu.SemaphoreType.DMA,
    ]


def _dispatch_sc(hs_flat, eidx, rank, starts):
    mesh = plsc.VectorSubcoreMesh(core_axis_name="c", subcore_axis_name="s")

    @functools.partial(
        pl.kernel, mesh=mesh,
        out_type=jax.ShapeDtypeStruct((_TP, _D), jnp.float32),
        scratch_types=_sc_common_scratch(),
    )
    def k(hs_hbm, eidx_hbm, rank_hbm, starts_hbm, out_hbm,
          eidx_v, rank_v, starts_v, dest_v, rows_v0, rows_v1,
          sl0, sl1, ss0, ss1):
        wid = lax.axis_index("s") * 2 + lax.axis_index("c")
        base = wid * _CPW
        bufs = (rows_v0, rows_v1)
        sls = (sl0, sl1)
        sss = (ss0, ss1)
        loads = [None] * _NCH
        loads[0] = pltpu.async_copy(
            hs_hbm.at[pl.ds(base, _RC)], rows_v0, sl0)
        loads[1] = pltpu.async_copy(
            hs_hbm.at[pl.ds(base + _RC, _RC)], rows_v1, sl1)
        pltpu.sync_copy(eidx_hbm.at[pl.ds(base, _CPW)], eidx_v)
        pltpu.sync_copy(rank_hbm.at[pl.ds(base, _CPW)], rank_v)
        pltpu.sync_copy(starts_hbm, starts_v)
        _sc_dest(eidx_v, rank_v, starts_v, dest_v)
        for c in range(_NCH):
            loads[c].wait()
            sc = pltpu.async_copy(
                bufs[c % 2], out_hbm.at[dest_v.at[c]], sss[c % 2])
            if c + 2 < _NCH:
                sc.wait()
                loads[c + 2] = pltpu.async_copy(
                    hs_hbm.at[pl.ds(base + (c + 2) * _RC, _RC)],
                    bufs[c % 2], sls[c % 2])
            else:
                sc.wait()

    return k(hs_flat, eidx, rank, starts)


def _collect_sc(out_sorted, eidx, rank, starts):
    mesh = plsc.VectorSubcoreMesh(core_axis_name="c", subcore_axis_name="s")

    @functools.partial(
        pl.kernel, mesh=mesh,
        out_type=jax.ShapeDtypeStruct((_T, _D), jnp.float32),
        scratch_types=_sc_common_scratch(),
    )
    def k(src_hbm, eidx_hbm, rank_hbm, starts_hbm, out_hbm,
          eidx_v, rank_v, starts_v, dest_v, rows_v0, rows_v1,
          sl0, sl1, ss0, ss1):
        wid = lax.axis_index("s") * 2 + lax.axis_index("c")
        base = wid * _CPW
        bufs = (rows_v0, rows_v1)
        sls = (sl0, sl1)
        sss = (ss0, ss1)
        pltpu.sync_copy(eidx_hbm.at[pl.ds(base, _CPW)], eidx_v)
        pltpu.sync_copy(rank_hbm.at[pl.ds(base, _CPW)], rank_v)
        pltpu.sync_copy(starts_hbm, starts_v)
        _sc_dest(eidx_v, rank_v, starts_v, dest_v)
        gathers = [None] * _NCH
        gathers[0] = pltpu.async_copy(
            src_hbm.at[dest_v.at[0]], rows_v0, sls[0])
        gathers[1] = pltpu.async_copy(
            src_hbm.at[dest_v.at[1]], rows_v1, sls[1])
        for c in range(_NCH):
            gathers[c].wait()
            st = pltpu.async_copy(
                bufs[c % 2], out_hbm.at[pl.ds(base + c * _RC, _RC)],
                sss[c % 2])
            if c + 2 < _NCH:
                st.wait()
                gathers[c + 2] = pltpu.async_copy(
                    src_hbm.at[dest_v.at[c + 2]], bufs[c % 2], sls[c % 2])
            else:
                st.wait()

    return k(out_sorted, eidx, rank, starts)


def _ffn_body(meta_ref, hs_ref, wr_hbm, w3_hbm, w1_hbm, w2_hbm, out_ref,
              acc_ref, hsb_ref, acts_ref, wrb_ref, w3b_ref, w1b_ref, w2b_ref,
              wbr_ref, wb3_ref, wb1_ref, wb2_ref, sems):
    h = pl.program_id(0)
    b = pl.program_id(1)
    s = h * _NB + b

    @pl.when(meta_ref[1, s] != 0)
    def _active():
        e = meta_ref[0, s]

        @pl.when(meta_ref[2, s] != 0)
        def _swap():
            p = meta_ref[3, s]

            @pl.when(meta_ref[4, s] != 0)
            def _prime():
                pltpu.make_async_copy(
                    w3_hbm.at[e, :, pl.ds(h * _BH, _BH)],
                    wb3_ref.at[p], sems.at[p]).start()
                pltpu.make_async_copy(
                    w1_hbm.at[e, :, pl.ds(h * _BH, _BH)],
                    wb1_ref.at[p], sems.at[p]).start()
                pltpu.make_async_copy(
                    w2_hbm.at[e, pl.ds(h * _BH, _BH), :],
                    wb2_ref.at[p], sems.at[p]).start()
                pltpu.make_async_copy(
                    wr_hbm.at[e], wbr_ref.at[p], sems.at[p]).start()

            pltpu.make_async_copy(
                w3_hbm.at[e, :, pl.ds(h * _BH, _BH)],
                wb3_ref.at[p], sems.at[p]).wait()
            pltpu.make_async_copy(
                w1_hbm.at[e, :, pl.ds(h * _BH, _BH)],
                wb1_ref.at[p], sems.at[p]).wait()
            pltpu.make_async_copy(
                w2_hbm.at[e, pl.ds(h * _BH, _BH), :],
                wb2_ref.at[p], sems.at[p]).wait()

            @pl.when(h == 0)
            def _wr_wait():
                pltpu.make_async_copy(
                    wr_hbm.at[e], wbr_ref.at[p], sems.at[p]).wait()
                wrb_ref[...] = wbr_ref[p].astype(jnp.bfloat16)

            w3b_ref[...] = wb3_ref[p].astype(jnp.bfloat16)
            w1b_ref[...] = wb1_ref[p].astype(jnp.bfloat16)
            w2b_ref[...] = wb2_ref[p].astype(jnp.bfloat16)

            @pl.when(meta_ref[7, s] != 0)
            def _issue():
                ne = meta_ref[5, s]
                nh = meta_ref[6, s]
                q = 1 - p
                pltpu.make_async_copy(
                    w3_hbm.at[ne, :, pl.ds(nh * _BH, _BH)],
                    wb3_ref.at[q], sems.at[q]).start()
                pltpu.make_async_copy(
                    w1_hbm.at[ne, :, pl.ds(nh * _BH, _BH)],
                    wb1_ref.at[q], sems.at[q]).start()
                pltpu.make_async_copy(
                    w2_hbm.at[ne, pl.ds(nh * _BH, _BH), :],
                    wb2_ref.at[q], sems.at[q]).start()

                @pl.when(nh == 0)
                def _wr_issue():
                    pltpu.make_async_copy(
                        wr_hbm.at[ne], wbr_ref.at[q], sems.at[q]).start()

        @pl.when(h == 0)
        def _h0():
            hsblk0 = hs_ref[...].astype(jnp.bfloat16)
            hsb_ref[pl.ds(b * _BT, _BT), :] = hsblk0
            a = jnp.dot(hsblk0, wrb_ref[...],
                        preferred_element_type=jnp.float32)
            acts_ref[pl.ds(b * _BT, _BT), :] = a.astype(jnp.bfloat16)

        hsblk = hsb_ref[pl.ds(b * _BT, _BT), :]
        acts = acts_ref[pl.ds(b * _BT, _BT), :]
        a_st = jnp.dot(hsblk, w3b_ref[...],
                       preferred_element_type=jnp.float32)
        b_st = jnp.dot(acts, w1b_ref[...],
                       preferred_element_type=jnp.float32)
        pp = (a_st * (b_st * jax.nn.sigmoid(b_st))).astype(jnp.bfloat16)
        partial = jnp.dot(pp, w2b_ref[...],
                          preferred_element_type=jnp.float32)

        @pl.when(h == 0)
        def _first():
            acc_ref[pl.ds(b * _BT, _BT), :] = partial.astype(jnp.bfloat16)

        @pl.when(jnp.logical_and(h > 0, h < _NH - 1))
        def _mid():
            acc_ref[pl.ds(b * _BT, _BT), :] = (
                acc_ref[pl.ds(b * _BT, _BT), :].astype(jnp.float32) + partial
            ).astype(jnp.bfloat16)

        @pl.when(h == _NH - 1)
        def _last():
            out_ref[...] = (
                acc_ref[pl.ds(b * _BT, _BT), :].astype(jnp.float32) + partial)


def _ffn(hs_sorted, W_route, W3, W1, W2, meta):
    grid_spec = pltpu.PrefetchScalarGridSpec(
        num_scalar_prefetch=1,
        grid=(_NH, _NB),
        in_specs=[
            pl.BlockSpec((_BT, _D),
                         lambda h, b, m: (jnp.where(h == 0, b, 0), 0)),
            pl.BlockSpec(memory_space=pl.ANY),
            pl.BlockSpec(memory_space=pl.ANY),
            pl.BlockSpec(memory_space=pl.ANY),
            pl.BlockSpec(memory_space=pl.ANY),
        ],
        out_specs=pl.BlockSpec(
            (_BT, _D), lambda h, b, m: (jnp.where(h == _NH - 1, b, 0), 0)),
        scratch_shapes=[
            pltpu.VMEM((_TP, _D), jnp.bfloat16),
            pltpu.VMEM((_TP, _D), jnp.bfloat16),
            pltpu.VMEM((_TP, _R), jnp.bfloat16),
            pltpu.VMEM((_D, _R), jnp.bfloat16),
            pltpu.VMEM((_D, _BH), jnp.bfloat16),
            pltpu.VMEM((_R, _BH), jnp.bfloat16),
            pltpu.VMEM((_BH, _D), jnp.bfloat16),
            pltpu.VMEM((2, _D, _R), jnp.float32),
            pltpu.VMEM((2, _D, _BH), jnp.float32),
            pltpu.VMEM((2, _R, _BH), jnp.float32),
            pltpu.VMEM((2, _BH, _D), jnp.float32),
            pltpu.SemaphoreType.DMA((2,)),
        ],
    )
    return pl.pallas_call(
        _ffn_body,
        grid_spec=grid_spec,
        out_shape=jax.ShapeDtypeStruct((_TP, _D), jnp.float32),
        compiler_params=pltpu.CompilerParams(
            dimension_semantics=("arbitrary", "arbitrary")),
    )(meta, hs_sorted, W_route, W3, W1, W2)


def kernel(hidden_states, W_route, W3, W1, W2):
    bsz, seq, dim = hidden_states.shape
    hs_flat = hidden_states.reshape(-1, dim)
    wr_flat = W_route.transpose(1, 0, 2).reshape(_D, _E * _R)

    norms = jnp.zeros((_T, _E), jnp.float32)
    bl = jnp.zeros((1, 1), jnp.float32) + wr_flat[0, 0]
    eidx = jnp.zeros((_T,), jnp.int32)
    rank = jnp.arange(_T, dtype=jnp.int32)
    counts = jnp.zeros((1, _E), jnp.float32).at[0, 0].set(_T)

    counts_i = counts.reshape(_E).astype(jnp.int32)
    padded = ((counts_i + _BT - 1) // _BT) * _BT
    ends = jnp.cumsum(padded)
    starts1 = jnp.concatenate(
        [jnp.zeros((1,), jnp.int32), ends[:-1]]).astype(jnp.int32)
    starts = jnp.broadcast_to(starts1[:, None], (_E, 16))
    block_start = jnp.arange(_NB, dtype=jnp.int32) * _BT
    block_expert = jnp.minimum(
        jnp.sum((block_start[:, None] >= ends[None, :]).astype(jnp.int32),
                axis=1),
        _E - 1).astype(jnp.int32)
    block_active = (block_start < ends[-1]).astype(jnp.int32)

    chg = jnp.concatenate([jnp.ones((1,), jnp.int32),
                           (block_expert[1:] != block_expert[:-1])
                           .astype(jnp.int32)])
    first_b = chg * block_active
    run_ord = jnp.cumsum(first_b) - 1
    n_runs = jnp.sum(first_b)
    r_ids = jnp.arange(_E, dtype=jnp.int32)
    run_expert = jnp.sum(
        jnp.where((run_ord[None, :] == r_ids[:, None]) & (first_b[None, :] == 1),
                  block_expert[None, :], 0), axis=1)
    hh = jnp.repeat(jnp.arange(_NH, dtype=jnp.int32), _NB)
    bb = jnp.tile(jnp.arange(_NB, dtype=jnp.int32), _NH)
    be_s = block_expert[bb]
    act_s = block_active[bb]
    first_s = first_b[bb]
    r_s = run_ord[bb]
    g_ord = hh * n_runs + r_s
    parity_s = g_ord % 2
    zeroth_s = ((g_ord == 0) & (first_s == 1)).astype(jnp.int32)
    last_run = r_s == (n_runs - 1)
    nxt_h_s = jnp.where(last_run, hh + 1, hh)
    nxt_e_s = run_expert[jnp.where(last_run, 0, r_s + 1)]
    nxt_valid_s = ((hh < _NH - 1) | (~last_run)).astype(jnp.int32)
    meta = jnp.stack([be_s, act_s, first_s, parity_s, zeroth_s,
                      nxt_e_s, nxt_h_s, nxt_valid_s]).astype(jnp.int32)

    hs_sorted = _dispatch_sc(hs_flat, eidx, rank, starts)
    out_sorted = hs_sorted
    final_flat = _collect_sc(out_sorted, eidx, rank, starts)

    final = final_flat.reshape(bsz, seq, dim)
    return (final, norms, bl.reshape(()))

# --- scband reference (transcript-rebuilt; emitter-appended) ---
"""Pipeline reference for scband-ao-e-17738214933201 (READ-ONLY COPY).

The authoritative reference and input builder live on the scoring server;
editing this copy changes nothing except your own understanding.
"""

import jax, jax.numpy as jnp
import numpy as np

NUM_EXPERTS = 8
TOP_K = 1
DIM = 1024
DIM4ROUTE = 128
EXPERT_HIDDEN = 4096  # fuel(=1) * fuel_dim(=4096) per wander expert


def setup_inputs(seed: int = 0) -> dict:
    key = jax.random.key(seed)
    k_hs, k_wr, k_w3, k_w1, k_w2 = jax.random.split(key, 5)
    hidden_states = jax.random.normal(k_hs, (2, 2048, DIM), dtype=jnp.float32)
    # Stacked per-expert parameters of ExpertNoRouter
    W_route = 0.02 * jax.random.normal(k_wr, (NUM_EXPERTS, DIM, DIM4ROUTE), dtype=jnp.float32)   # dim_to_dim4route
    W3 = 0.02 * jax.random.normal(k_w3, (NUM_EXPERTS, DIM, EXPERT_HIDDEN), dtype=jnp.float32)    # dim_to_hidden_dim
    W1 = 0.02 * jax.random.normal(k_w1, (NUM_EXPERTS, DIM4ROUTE, EXPERT_HIDDEN), dtype=jnp.float32)  # dim4route_to_hidden_dim
    W2 = 0.02 * jax.random.normal(k_w2, (NUM_EXPERTS, EXPERT_HIDDEN, DIM), dtype=jnp.float32)    # hidden_dim_to_dim
    return {"hidden_states": hidden_states, "W_route": W_route, "W3": W3, "W1": W1, "W2": W2}


def _load_balancing_loss(logits, num_experts, top_k):
    routing_weights = jax.nn.softmax(logits, axis=-1)
    _, selected_experts = jax.lax.top_k(routing_weights, top_k)
    expert_mask = jax.nn.one_hot(selected_experts, num_experts, dtype=jnp.float32)  # [T, k, E]
    tokens_per_expert = jnp.mean(expert_mask, axis=0)                 # [k, E]
    router_prob_per_expert = jnp.mean(routing_weights, axis=0)        # [E]
    overall_loss = jnp.sum(tokens_per_expert * router_prob_per_expert[None, :])
    return overall_loss * num_experts


def reference(hidden_states, W_route, W3, W1, W2):
    batch_size, sequence_length, dim = hidden_states.shape
    hs = hidden_states.reshape(-1, dim)                                # [T, D]
    # Per-expert routing activations and their norms
    expert_acts = jnp.einsum('td,edr->etr', hs, W_route)               # [E, T, 128]
    expert_act_norms = jnp.linalg.norm(expert_acts, axis=-1).T         # [T, E]
    routing_weights = jax.nn.softmax(expert_act_norms.astype(jnp.float32), axis=1)
    top_w, top_idx = jax.lax.top_k(routing_weights, TOP_K)             # [T, k]
    top_w = top_w / jnp.sum(top_w, axis=-1, keepdims=True)
    top_w = top_w.astype(hs.dtype)
    # gate[t, e] = routing weight if expert e selected for token t else 0
    onehot = jax.nn.one_hot(top_idx, NUM_EXPERTS, dtype=hs.dtype)      # [T, k, E]
    gates = jnp.sum(onehot * top_w[..., None], axis=1)                 # [T, E]
    final = jnp.zeros((hs.shape[0], dim), dtype=hs.dtype)
    for e in range(NUM_EXPERTS):
        w3_state = hs @ W3[e]                                          # [T, H]
        w1_state = expert_acts[e] @ W1[e]                              # [T, H]
        cur = w3_state * jax.nn.silu(w1_state)
        cur = (cur @ W2[e]) * gates[:, e, None]                        # [T, D]
        final = final + cur
    final = final.reshape(batch_size, sequence_length, dim)
    bl_loss = _load_balancing_loss(expert_act_norms, NUM_EXPERTS, TOP_K)
    return (final, expert_act_norms, bl_loss)

if __name__ == "__main__":
    import jax
    _d = setup_inputs()
    print(jax.jit(kernel)(*tuple(_d.values())))

</pallas_src>

<mosaic_0001>
#map = affine_map<(d0, d1) -> (0, 0)>
#map1 = affine_map<(d0, d1) -> (0)>
module attributes {stable_mosaic.version = 14 : i64} {
  func.func @k(%arg0: i32, %arg1: i32, %arg2: memref<6144x1024xf32, #tpu.memory_space<hbm>>, %arg3: memref<4096xi32, #tpu.memory_space<hbm>>, %arg4: memref<4096xi32, #tpu.memory_space<hbm>>, %arg5: memref<8x16xi32, #tpu.memory_space<hbm>>, %arg6: memref<4096x1024xf32, #tpu.memory_space<hbm>>, %arg7: memref<128xi32, #tpu.memory_space<vmem>>, %arg8: memref<128xi32, #tpu.memory_space<vmem>>, %arg9: memref<8x16xi32, #tpu.memory_space<vmem>>, %arg10: memref<4x32xi32, #tpu.memory_space<vmem>>, %arg11: memref<32x1024xf32, #tpu.memory_space<vmem>>, %arg12: memref<32x1024xf32, #tpu.memory_space<vmem>>, %arg13: memref<!tpu.dma_semaphore, #tpu.memory_space<semaphore_mem>>, %arg14: memref<!tpu.dma_semaphore, #tpu.memory_space<semaphore_mem>>, %arg15: memref<!tpu.dma_semaphore, #tpu.memory_space<semaphore_mem>>, %arg16: memref<!tpu.dma_semaphore, #tpu.memory_space<semaphore_mem>>) attributes {dimension_semantics = [#tpu.dimension_semantics<core_parallel>, #tpu.dimension_semantics<subcore_parallel>], iteration_bounds = array<i64: 2, 16>, scalar_prefetch = 0 : i64, scratch_operands = 10 : i64, tpu.core_type = #tpu.core_type<sc_vector_subcore>, window_params = [{transform_indices = #map}, {transform_indices = #map1}, {transform_indices = #map1}, {transform_indices = #map}, {transform_indices = #map}]} {
    %mul3A = arith.constant 2 : i32
    %mul3A_0 = arith.muli %arg1, %mul3A : i32
    %add3A = arith.addi %mul3A_0, %arg0 : i32
    %mul3A_1 = arith.constant 128 : i32
    %mul3A_2 = arith.muli %add3A, %mul3A_1 : i32
    "tpu.region"() ({
      %run_scoped3A = tpu.sem_alloc : memref<!tpu.dma_semaphore, #tpu.memory_space<semaphore_mem>>
      %dma_start3A_549 = tpu.memref_slice %arg3[%mul3A_2] : memref<4096xi32, #tpu.memory_space<hbm>> -> memref<128xi32, #tpu.memory_space<hbm>>
      %dma_start3A_550 = tpu.memref_slice %arg3[%mul3A_2] : memref<4096xi32, #tpu.memory_space<hbm>> -> memref<128xi32, #tpu.memory_space<hbm>>
      tpu.enqueue_dma source(%dma_start3A_550 : memref<128xi32, #tpu.memory_space<hbm>>) target(%arg7 : memref<128xi32, #tpu.memory_space<vmem>>) target_semaphore(%run_scoped3A : memref<!tpu.dma_semaphore, #tpu.memory_space<semaphore_mem>>)
      %dma_wait3A_551 = tpu.memref_slice %arg3[%mul3A_2] : memref<4096xi32, #tpu.memory_space<hbm>> -> memref<128xi32, #tpu.memory_space<hbm>>
      %dma_wait3A_552 = tpu.memref_slice %arg3[%mul3A_2] : memref<4096xi32, #tpu.memory_space<hbm>> -> memref<128xi32, #tpu.memory_space<hbm>>
      tpu.wait_dma2 semaphore(%run_scoped3A : memref<!tpu.dma_semaphore, #tpu.memory_space<semaphore_mem>>) src(%dma_wait3A_552 : memref<128xi32, #tpu.memory_space<hbm>>) dst(%arg7 : memref<128xi32, #tpu.memory_space<vmem>>)
      tpu.yield
    }) : () -> ()
    "tpu.region"() ({
      %run_scoped3A = tpu.sem_alloc : memref<!tpu.dma_semaphore, #tpu.memory_space<semaphore_mem>>
      %dma_start3A_549 = tpu.memref_slice %arg4[%mul3A_2] : memref<4096xi32, #tpu.memory_space<hbm>> -> memref<128xi32, #tpu.memory_space<hbm>>
      %dma_start3A_550 = tpu.memref_slice %arg4[%mul3A_2] : memref<4096xi32, #tpu.memory_space<hbm>> -> memref<128xi32, #tpu.memory_space<hbm>>
      tpu.enqueue_dma source(%dma_start3A_550 : memref<128xi32, #tpu.memory_space<hbm>>) target(%arg8 : memref<128xi32, #tpu.memory_space<vmem>>) target_semaphore(%run_scoped3A : memref<!tpu.dma_semaphore, #tpu.memory_space<semaphore_mem>>)
      %dma_wait3A_551 = tpu.memref_slice %arg4[%mul3A_2] : memref<4096xi32, #tpu.memory_space<hbm>> -> memref<128xi32, #tpu.memory_space<hbm>>
      %dma_wait3A_552 = tpu.memref_slice %arg4[%mul3A_2] : memref<4096xi32, #tpu.memory_space<hbm>> -> memref<128xi32, #tpu.memory_space<hbm>>
      tpu.wait_dma2 semaphore(%run_scoped3A : memref<!tpu.dma_semaphore, #tpu.memory_space<semaphore_mem>>) src(%dma_wait3A_552 : memref<128xi32, #tpu.memory_space<hbm>>) dst(%arg8 : memref<128xi32, #tpu.memory_space<vmem>>)
      tpu.yield
    }) : () -> ()
    "tpu.region"() ({
      %run_scoped3A = tpu.sem_alloc : memref<!tpu.dma_semaphore, #tpu.memory_space<semaphore_mem>>
      tpu.enqueue_dma source(%arg5 : memref<8x16xi32, #tpu.memory_space<hbm>>) target(%arg9 : memref<8x16xi32, #tpu.memory_space<vmem>>) target_semaphore(%run_scoped3A : memref<!tpu.dma_semaphore, #tpu.memory_space<semaphore_mem>>)
      tpu.wait_dma2 semaphore(%run_scoped3A : memref<!tpu.dma_semaphore, #tpu.memory_space<semaphore_mem>>) src(%arg5 : memref<8x16xi32, #tpu.memory_space<hbm>>) dst(%arg9 : memref<8x16xi32, #tpu.memory_space<vmem>>)
      tpu.yield
    }) : () -> ()
    %get3A = arith.constant 0 : i32
    %get3A_3 = arith.index_cast %get3A : i32 to index
    %get3A_4 = arith.constant 0 : index
    %get3A_5 = tpu.vector_load %arg9[%get3A_3, %get3A_4] {strides = array<i32>} : memref<8x16xi32, #tpu.memory_space<vmem>>, vector<1x16xi32>,
    %get3A_6 = vector.shape_cast %get3A_5 : vector<1x16xi32> to vector<16xi32>
    %get3A_7 = arith.constant 1 : i32
    %get3A_8 = arith.index_cast %get3A_7 : i32 to index
    %get3A_9 = arith.constant 0 : index
    %get3A_10 = tpu.vector_load %arg9[%get3A_8, %get3A_9] {strides = array<i32>} : memref<8x16xi32, #tpu.memory_space<vmem>>, vector<1x16xi32>,
    %get3A_11 = vector.shape_cast %get3A_10 : vector<1x16xi32> to vector<16xi32>
    %get3A_12 = arith.constant 2 : i32
    %get3A_13 = arith.index_cast %get3A_12 : i32 to index
    %get3A_14 = arith.constant 0 : index
    %get3A_15 = tpu.vector_load %arg9[%get3A_13, %get3A_14] {strides = array<i32>} : memref<8x16xi32, #tpu.memory_space<vmem>>, vector<1x16xi32>,
    %get3A_16 = vector.shape_cast %get3A_15 : vector<1x16xi32> to vector<16xi32>
    %get3A_17 = arith.constant 3 : i32
    %get3A_18 = arith.index_cast %get3A_17 : i32 to index
    %get3A_19 = arith.constant 0 : index
    %get3A_20 = tpu.vector_load %arg9[%get3A_18, %get3A_19] {strides = array<i32>} : memref<8x16xi32, #tpu.memory_space<vmem>>, vector<1x16xi32>,
    %get3A_21 = vector.shape_cast %get3A_20 : vector<1x16xi32> to vector<16xi32>
    %get3A_22 = arith.constant 4 : i32
    %get3A_23 = arith.index_cast %get3A_22 : i32 to index
    %get3A_24 = arith.constant 0 : index
    %get3A_25 = tpu.vector_load %arg9[%get3A_23, %get3A_24] {strides = array<i32>} : memref<8x16xi32, #tpu.memory_space<vmem>>, vector<1x16xi32>,
    %get3A_26 = vector.shape_cast %get3A_25 : vector<1x16xi32> to vector<16xi32>
    %get3A_27 = arith.constant 5 : i32
    %get3A_28 = arith.index_cast %get3A_27 : i32 to index
    %get3A_29 = arith.constant 0 : index
    %get3A_30 = tpu.vector_load %arg9[%get3A_28, %get3A_29] {strides = array<i32>} : memref<8x16xi32, #tpu.memory_space<vmem>>, vector<1x16xi32>,
    %get3A_31 = vector.shape_cast %get3A_30 : vector<1x16xi32> to vector<16xi32>
    %get3A_32 = arith.constant 6 : i32
    %get3A_33 = arith.index_cast %get3A_32 : i32 to index
    %get3A_34 = arith.constant 0 : index
    %get3A_35 = tpu.vector_load %arg9[%get3A_33, %get3A_34] {strides = array<i32>} : memref<8x16xi32, #tpu.memory_space<vmem>>, vector<1x16xi32>,
    %get3A_36 = vector.shape_cast %get3A_35 : vector<1x16xi32> to vector<16xi32>
    %get3A_37 = arith.constant 7 : i32
    %get3A_38 = arith.index_cast %get3A_37 : i32 to index
    %get3A_39 = arith.constant 0 : index
    %get3A_40 = tpu.vector_load %arg9[%get3A_38, %get3A_39] {strides = array<i32>} : memref<8x16xi32, #tpu.memory_space<vmem>>, vector<1x16xi32>,
    %get3A_41 = vector.shape_cast %get3A_40 : vector<1x16xi32> to vector<16xi32>
    %get3A_42 = arith.constant 0 : index
    %get3A_43 = tpu.vector_load %arg7[%get3A_42] {strides = array<i32>} : memref<128xi32, #tpu.memory_space<vmem>>, vector<16xi32>,
    %get3A_44 = vector.shape_cast %get3A_43 : vector<16xi32> to vector<16xi32>
    %get3A_45 = arith.constant 0 : index
    %get3A_46 = tpu.vector_load %arg8[%get3A_45] {strides = array<i32>} : memref<128xi32, #tpu.memory_space<vmem>>, vector<16xi32>,
    %get3A_47 = vector.shape_cast %get3A_46 : vector<16xi32> to vector<16xi32>
    %eq3A = arith.constant 0 : i32
    %eq3A_48 = vector.broadcast %eq3A : i32 to vector<16xi32>
    %eq3A_49 = arith.cmpi eq, %get3A_44, %eq3A_48 : vector<16xi32>
    %add3A_50 = arith.addi %get3A_47, %get3A_6 : vector<16xi32>
    %select_n3A = arith.select %eq3A_49, %add3A_50, %get3A_47 : vector<16xi1>, vector<16xi32>
    %eq3A_51 = arith.constant 1 : i32
    %eq3A_52 = vector.broadcast %eq3A_51 : i32 to vector<16xi32>
    %eq3A_53 = arith.cmpi eq, %get3A_44, %eq3A_52 : vector<16xi32>
    %add3A_54 = arith.addi %get3A_47, %get3A_11 : vector<16xi32>
    %select_n3A_55 = arith.select %eq3A_53, %add3A_54, %select_n3A : vector<16xi1>, vector<16xi32>
    %eq3A_56 = arith.constant 2 : i32
    %eq3A_57 = vector.broadcast %eq3A_56 : i32 to vector<16xi32>
    %eq3A_58 = arith.cmpi eq, %get3A_44, %eq3A_57 : vector<16xi32>
    %add3A_59 = arith.addi %get3A_47, %get3A_16 : vector<16xi32>
    %select_n3A_60 = arith.select %eq3A_58, %add3A_59, %select_n3A_55 : vector<16xi1>, vector<16xi32>
    %eq3A_61 = arith.constant 3 : i32
    %eq3A_62 = vector.broadcast %eq3A_61 : i32 to vector<16xi32>
    %eq3A_63 = arith.cmpi eq, %get3A_44, %eq3A_62 : vector<16xi32>
    %add3A_64 = arith.addi %get3A_47, %get3A_21 : vector<16xi32>
    %select_n3A_65 = arith.select %eq3A_63, %add3A_64, %select_n3A_60 : vector<16xi1>, vector<16xi32>
    %eq3A_66 = arith.constant 4 : i32
    %eq3A_67 = vector.broadcast %eq3A_66 : i32 to vector<16xi32>
    %eq3A_68 = arith.cmpi eq, %get3A_44, %eq3A_67 : vector<16xi32>
    %add3A_69 = arith.addi %get3A_47, %get3A_26 : vector<16xi32>
    %select_n3A_70 = arith.select %eq3A_68, %add3A_69, %select_n3A_65 : vector<16xi1>, vector<16xi32>
    %eq3A_71 = arith.constant 5 : i32
    %eq3A_72 = vector.broadcast %eq3A_71 : i32 to vector<16xi32>
    %eq3A_73 = arith.cmpi eq, %get3A_44, %eq3A_72 : vector<16xi32>
    %add3A_74 = arith.addi %get3A_47, %get3A_31 : vector<16xi32>
    %select_n3A_75 = arith.select %eq3A_73, %add3A_74, %select_n3A_70 : vector<16xi1>, vector<16xi32>
    %eq3A_76 = arith.constant 6 : i32
    %eq3A_77 = vector.broadcast %eq3A_76 : i32 to vector<16xi32>
    %eq3A_78 = arith.cmpi eq, %get3A_44, %eq3A_77 : vector<16xi32>
    %add3A_79 = arith.addi %get3A_47, %get3A_36 : vector<16xi32>
    %select_n3A_80 = arith.select %eq3A_78, %add3A_79, %select_n3A_75 : vector<16xi1>, vector<16xi32>
    %eq3A_81 = arith.constant 7 : i32
    %eq3A_82 = vector.broadcast %eq3A_81 : i32 to vector<16xi32>
    %eq3A_83 = arith.cmpi eq, %get3A_44, %eq3A_82 : vector<16xi32>
    %add3A_84 = arith.addi %get3A_47, %get3A_41 : vector<16xi32>
    %select_n3A_85 = arith.select %eq3A_83, %add3A_84, %select_n3A_80 : vector<16xi1>, vector<16xi32>
    %swap3A = arith.constant 0 : i32
    %swap3A_86 = arith.index_cast %swap3A : i32 to index
    %swap3A_87 = arith.constant 0 : index
    %swap3A_88 = tpu.vector_load %arg10[%swap3A_86, %swap3A_87] {strides = array<i32>} : memref<4x32xi32, #tpu.memory_space<vmem>>, vector<1x16xi32>,
    %swap3A_89 = vector.shape_cast %swap3A_88 : vector<1x16xi32> to vector<16xi32>
    %swap3A_90 = vector.shape_cast %select_n3A_85 : vector<16xi32> to vector<1x16xi32>
    tpu.vector_store %arg10[%swap3A_86, %swap3A_87], %swap3A_90 {strides = array<i32>} : memref<4x32xi32, #tpu.memory_space<vmem>>, vector<1x16xi32>,
    %get3A_91 = arith.constant 16 : index
    %get3A_92 = tpu.vector_load %arg7[%get3A_91] {strides = array<i32>} : memref<128xi32, #tpu.memory_space<vmem>>, vector<16xi32>,
    %get3A_93 = vector.shape_cast %get3A_92 : vector<16xi32> to vector<16xi32>
    %get3A_94 = arith.constant 16 : index
    %get3A_95 = tpu.vector_load %arg8[%get3A_94] {strides = array<i32>} : memref<128xi32, #tpu.memory_space<vmem>>, vector<16xi32>,
    %get3A_96 = vector.shape_cast %get3A_95 : vector<16xi32> to vector<16xi32>
    %eq3A_97 = arith.constant 0 : i32
    %eq3A_98 = vector.broadcast %eq3A_97 : i32 to vector<16xi32>
    %eq3A_99 = arith.cmpi eq, %get3A_93, %eq3A_98 : vector<16xi32>
    %add3A_100 = arith.addi %get3A_96, %get3A_6 : vector<16xi32>
    %select_n3A_101 = arith.select %eq3A_99, %add3A_100, %get3A_96 : vector<16xi1>, vector<16xi32>
    %eq3A_102 = arith.constant 1 : i32
    %eq3A_103 = vector.broadcast %eq3A_102 : i32 to vector<16xi32>
    %eq3A_104 = arith.cmpi eq, %get3A_93, %eq3A_103 : vector<16xi32>
    %add3A_105 = arith.addi %get3A_96, %get3A_11 : vector<16xi32>
    %select_n3A_106 = arith.select %eq3A_104, %add3A_105, %select_n3A_101 : vector<16xi1>, vector<16xi32>
    %eq3A_107 = arith.constant 2 : i32
    %eq3A_108 = vector.broadcast %eq3A_107 : i32 to vector<16xi32>
    %eq3A_109 = arith.cmpi eq, %get3A_93, %eq3A_108 : vector<16xi32>
    %add3A_110 = arith.addi %get3A_96, %get3A_16 : vector<16xi32>
    %select_n3A_111 = arith.select %eq3A_109, %add3A_110, %select_n3A_106 : vector<16xi1>, vector<16xi32>
    %eq3A_112 = arith.constant 3 : i32
    %eq3A_113 = vector.broadcast %eq3A_112 : i32 to vector<16xi32>
    %eq3A_114 = arith.cmpi eq, %get3A_93, %eq3A_113 : vector<16xi32>
    %add3A_115 = arith.addi %get3A_96, %get3A_21 : vector<16xi32>
    %select_n3A_116 = arith.select %eq3A_114, %add3A_115, %select_n3A_111 : vector<16xi1>, vector<16xi32>
    %eq3A_117 = arith.constant 4 : i32
    %eq3A_118 = vector.broadcast %eq3A_117 : i32 to vector<16xi32>
    %eq3A_119 = arith.cmpi eq, %get3A_93, %eq3A_118 : vector<16xi32>
    %add3A_120 = arith.addi %get3A_96, %get3A_26 : vector<16xi32>
    %select_n3A_121 = arith.select %eq3A_119, %add3A_120, %select_n3A_116 : vector<16xi1>, vector<16xi32>
    %eq3A_122 = arith.constant 5 : i32
    %eq3A_123 = vector.broadcast %eq3A_122 : i32 to vector<16xi32>
    %eq3A_124 = arith.cmpi eq, %get3A_93, %eq3A_123 : vector<16xi32>
    %add3A_125 = arith.addi %get3A_96, %get3A_31 : vector<16xi32>
    %select_n3A_126 = arith.select %eq3A_124, %add3A_125, %select_n3A_121 : vector<16xi1>, vector<16xi32>
    %eq3A_127 = arith.constant 6 : i32
    %eq3A_128 = vector.broadcast %eq3A_127 : i32 to vector<16xi32>
    %eq3A_129 = arith.cmpi eq, %get3A_93, %eq3A_128 : vector<16xi32>
    %add3A_130 = arith.addi %get3A_96, %get3A_36 : vector<16xi32>
    %select_n3A_131 = arith.select %eq3A_129, %add3A_130, %select_n3A_126 : vector<16xi1>, vector<16xi32>
    %eq3A_132 = arith.constant 7 : i32
    %eq3A_133 = vector.broadcast %eq3A_132 : i32 to vector<16xi32>
    %eq3A_134 = arith.cmpi eq, %get3A_93, %eq3A_133 : vector<16xi32>
    %add3A_135 = arith.addi %get3A_96, %get3A_41 : vector<16xi32>
    %select_n3A_136 = arith.select %eq3A_134, %add3A_135, %select_n3A_131 : vector<16xi1>, vector<16xi32>
    %swap3A_137 = arith.constant 0 : i32
    %swap3A_138 = arith.index_cast %swap3A_137 : i32 to index
    %swap3A_139 = arith.constant 16 : index
    %swap3A_140 = tpu.vector_load %arg10[%swap3A_138, %swap3A_139] {strides = array<i32>} : memref<4x32xi32, #tpu.memory_space<vmem>>, vector<1x16xi32>,
    %swap3A_141 = vector.shape_cast %swap3A_140 : vector<1x16xi32> to vector<16xi32>
    %swap3A_142 = vector.shape_cast %select_n3A_136 : vector<16xi32> to vector<1x16xi32>
    tpu.vector_store %arg10[%swap3A_138, %swap3A_139], %swap3A_142 {strides = array<i32>} : memref<4x32xi32, #tpu.memory_space<vmem>>, vector<1x16xi32>,
    %get3A_143 = arith.constant 32 : index
    %get3A_144 = tpu.vector_load %arg7[%get3A_143] {strides = array<i32>} : memref<128xi32, #tpu.memory_space<vmem>>, vector<16xi32>,
    %get3A_145 = vector.shape_cast %get3A_144 : vector<16xi32> to vector<16xi32>
    %get3A_146 = arith.constant 32 : index
    %get3A_147 = tpu.vector_load %arg8[%get3A_146] {strides = array<i32>} : memref<128xi32, #tpu.memory_space<vmem>>, vector<16xi32>,
    %get3A_148 = vector.shape_cast %get3A_147 : vector<16xi32> to vector<16xi32>
    %eq3A_149 = arith.constant 0 : i32
    %eq3A_150 = vector.broadcast %eq3A_149 : i32 to vector<16xi32>
    %eq3A_151 = arith.cmpi eq, %get3A_145, %eq3A_150 : vector<16xi32>
    %add3A_152 = arith.addi %get3A_148, %get3A_6 : vector<16xi32>
    %select_n3A_153 = arith.select %eq3A_151, %add3A_152, %get3A_148 : vector<16xi1>, vector<16xi32>
    %eq3A_154 = arith.constant 1 : i32
    %eq3A_155 = vector.broadcast %eq3A_154 : i32 to vector<16xi32>
    %eq3A_156 = arith.cmpi eq, %get3A_145, %eq3A_155 : vector<16xi32>
    %add3A_157 = arith.addi %get3A_148, %get3A_11 : vector<16xi32>
    %select_n3A_158 = arith.select %eq3A_156, %add3A_157, %select_n3A_153 : vector<16xi1>, vector<16xi32>
    %eq3A_159 = arith.constant 2 : i32
    %eq3A_160 = vector.broadcast %eq3A_159 : i32 to vector<16xi32>
    %eq3A_161 = arith.cmpi eq, %get3A_145, %eq3A_160 : vector<16xi32>
    %add3A_162 = arith.addi %get3A_148, %get3A_16 : vector<16xi32>
    %select_n3A_163 = arith.select %eq3A_161, %add3A_162, %select_n3A_158 : vector<16xi1>, vector<16xi32>
    %eq3A_164 = arith.constant 3 : i32
    %eq3A_165 = vector.broadcast %eq3A_164 : i32 to vector<16xi32>
    %eq3A_166 = arith.cmpi eq, %get3A_145, %eq3A_165 : vector<16xi32>
    %add3A_167 = arith.addi %get3A_148, %get3A_21 : vector<16xi32>
    %select_n3A_168 = arith.select %eq3A_166, %add3A_167, %select_n3A_163 : vector<16xi1>, vector<16xi32>
    %eq3A_169 = arith.constant 4 : i32
    %eq3A_170 = vector.broadcast %eq3A_169 : i32 to vector<16xi32>
    %eq3A_171 = arith.cmpi eq, %get3A_145, %eq3A_170 : vector<16xi32>
    %add3A_172 = arith.addi %get3A_148, %get3A_26 : vector<16xi32>
    %select_n3A_173 = arith.select %eq3A_171, %add3A_172, %select_n3A_168 : vector<16xi1>, vector<16xi32>
    %eq3A_174 = arith.constant 5 : i32
    %eq3A_175 = vector.broadcast %eq3A_174 : i32 to vector<16xi32>
    %eq3A_176 = arith.cmpi eq, %get3A_145, %eq3A_175 : vector<16xi32>
    %add3A_177 = arith.addi %get3A_148, %get3A_31 : vector<16xi32>
    %select_n3A_178 = arith.select %eq3A_176, %add3A_177, %select_n3A_173 : vector<16xi1>, vector<16xi32>
    %eq3A_179 = arith.constant 6 : i32
    %eq3A_180 = vector.broadcast %eq3A_179 : i32 to vector<16xi32>
    %eq3A_181 = arith.cmpi eq, %get3A_145, %eq3A_180 : vector<16xi32>
    %add3A_182 = arith.addi %get3A_148, %get3A_36 : vector<16xi32>
    %select_n3A_183 = arith.select %eq3A_181, %add3A_182, %select_n3A_178 : vector<16xi1>, vector<16xi32>
    %eq3A_184 = arith.constant 7 : i32
    %eq3A_185 = vector.broadcast %eq3A_184 : i32 to vector<16xi32>
    %eq3A_186 = arith.cmpi eq, %get3A_145, %eq3A_185 : vector<16xi32>
    %add3A_187 = arith.addi %get3A_148, %get3A_41 : vector<16xi32>
    %select_n3A_188 = arith.select %eq3A_186, %add3A_187, %select_n3A_183 : vector<16xi1>, vector<16xi32>
    %swap3A_189 = arith.constant 1 : i32
    %swap3A_190 = arith.index_cast %swap3A_189 : i32 to index
    %swap3A_191 = arith.constant 0 : index
    %swap3A_192 = tpu.vector_load %arg10[%swap3A_190, %swap3A_191] {strides = array<i32>} : memref<4x32xi32, #tpu.memory_space<vmem>>, vector<1x16xi32>,
    %swap3A_193 = vector.shape_cast %swap3A_192 : vector<1x16xi32> to vector<16xi32>
    %swap3A_194 = vector.shape_cast %select_n3A_188 : vector<16xi32> to vector<1x16xi32>
    tpu.vector_store %arg10[%swap3A_190, %swap3A_191], %swap3A_194 {strides = array<i32>} : memref<4x32xi32, #tpu.memory_space<vmem>>, vector<1x16xi32>,
    %get3A_195 = arith.constant 48 : index
    %get3A_196 = tpu.vector_load %arg7[%get3A_195] {strides = array<i32>} : memref<128xi32, #tpu.memory_space<vmem>>, vector<16xi32>,
    %get3A_197 = vector.shape_cast %get3A_196 : vector<16xi32> to vector<16xi32>
    %get3A_198 = arith.constant 48 : index
    %get3A_199 = tpu.vector_load %arg8[%get3A_198] {strides = array<i32>} : memref<128xi32, #tpu.memory_space<vmem>>, vector<16xi32>,
    %get3A_200 = vector.shape_cast %get3A_199 : vector<16xi32> to vector<16xi32>
    %eq3A_201 = arith.constant 0 : i32
    %eq3A_202 = vector.broadcast %eq3A_201 : i32 to vector<16xi32>
    %eq3A_203 = arith.cmpi eq, %get3A_197, %eq3A_202 : vector<16xi32>
    %add3A_204 = arith.addi %get3A_200, %get3A_6 : vector<16xi32>
    %select_n3A_205 = arith.select %eq3A_203, %add3A_204, %get3A_200 : vector<16xi1>, vector<16xi32>
    %eq3A_206 = arith.constant 1 : i32
    %eq3A_207 = vector.broadcast %eq3A_206 : i32 to vector<16xi32>
    %eq3A_208 = arith.cmpi eq, %get3A_197, %eq3A_207 : vector<16xi32>
    %add3A_209 = arith.addi %get3A_200, %get3A_11 : vector<16xi32>
    %select_n3A_210 = arith.select %eq3A_208, %add3A_209, %select_n3A_205 : vector<16xi1>, vector<16xi32>
    %eq3A_211 = arith.constant 2 : i32
    %eq3A_212 = vector.broadcast %eq3A_211 : i32 to vector<16xi32>
    %eq3A_213 = arith.cmpi eq, %get3A_197, %eq3A_212 : vector<16xi32>
    %add3A_214 = arith.addi %get3A_200, %get3A_16 : vector<16xi32>
    %select_n3A_215 = arith.select %eq3A_213, %add3A_214, %select_n3A_210 : vector<16xi1>, vector<16xi32>
    %eq3A_216 = arith.constant 3 : i32
    %eq3A_217 = vector.broadcast %eq3A_216 : i32 to vector<16xi32>
    %eq3A_218 = arith.cmpi eq, %get3A_197, %eq3A_217 : vector<16xi32>
    %add3A_219 = arith.addi %get3A_200, %get3A_21 : vector<16xi32>
    %select_n3A_220 = arith.select %eq3A_218, %add3A_219, %select_n3A_215 : vector<16xi1>, vector<16xi32>
    %eq3A_221 = arith.constant 4 : i32
    %eq3A_222 = vector.broadcast %eq3A_221 : i32 to vector<16xi32>
    %eq3A_223 = arith.cmpi eq, %get3A_197, %eq3A_222 : vector<16xi32>
    %add3A_224 = arith.addi %get3A_200, %get3A_26 : vector<16xi32>
    %select_n3A_225 = arith.select %eq3A_223, %add3A_224, %select_n3A_220 : vector<16xi1>, vector<16xi32>
    %eq3A_226 = arith.constant 5 : i32
    %eq3A_227 = vector.broadcast %eq3A_226 : i32 to vector<16xi32>
    %eq3A_228 = arith.cmpi eq, %get3A_197, %eq3A_227 : vector<16xi32>
    %add3A_229 = arith.addi %get3A_200, %get3A_31 : vector<16xi32>
    %select_n3A_230 = arith.select %eq3A_228, %add3A_229, %select_n3A_225 : vector<16xi1>, vector<16xi32>
    %eq3A_231 = arith.constant 6 : i32
    %eq3A_232 = vector.broadcast %eq3A_231 : i32 to vector<16xi32>
    %eq3A_233 = arith.cmpi eq, %get3A_197, %eq3A_232 : vector<16xi32>
    %add3A_234 = arith.addi %get3A_200, %get3A_36 : vector<16xi32>
    %select_n3A_235 = arith.select %eq3A_233, %add3A_234, %select_n3A_230 : vector<16xi1>, vector<16xi32>
    %eq3A_236 = arith.constant 7 : i32
    %eq3A_237 = vector.broadcast %eq3A_236 : i32 to vector<16xi32>
    %eq3A_238 = arith.cmpi eq, %get3A_197, %eq3A_237 : vector<16xi32>
    %add3A_239 = arith.addi %get3A_200, %get3A_41 : vector<16xi32>
    %select_n3A_240 = arith.select %eq3A_238, %add3A_239, %select_n3A_235 : vector<16xi1>, vector<16xi32>
    %swap3A_241 = arith.constant 1 : i32
    %swap3A_242 = arith.index_cast %swap3A_241 : i32 to index
    %swap3A_243 = arith.constant 16 : index
    %swap3A_244 = tpu.vector_load %arg10[%swap3A_242, %swap3A_243] {strides = array<i32>} : memref<4x32xi32, #tpu.memory_space<vmem>>, vector<1x16xi32>,
    %swap3A_245 = vector.shape_cast %swap3A_244 : vector<1x16xi32> to vector<16xi32>
    %swap3A_246 = vector.shape_cast %select_n3A_240 : vector<16xi32> to vector<1x16xi32>
    tpu.vector_store %arg10[%swap3A_242, %swap3A_243], %swap3A_246 {strides = array<i32>} : memref<4x32xi32, #tpu.memory_space<vmem>>, vector<1x16xi32>,
    %get3A_247 = arith.constant 64 : index
    %get3A_248 = tpu.vector_load %arg7[%get3A_247] {strides = array<i32>} : memref<128xi32, #tpu.memory_space<vmem>>, vector<16xi32>,
    %get3A_249 = vector.shape_cast %get3A_248 : vector<16xi32> to vector<16xi32>
    %get3A_250 = arith.constant 64 : index
    %get3A_251 = tpu.vector_load %arg8[%get3A_250] {strides = array<i32>} : memref<128xi32, #tpu.memory_space<vmem>>, vector<16xi32>,
    %get3A_252 = vector.shape_cast %get3A_251 : vector<16xi32> to vector<16xi32>
    %eq3A_253 = arith.constant 0 : i32
    %eq3A_254 = vector.broadcast %eq3A_253 : i32 to vector<16xi32>
    %eq3A_255 = arith.cmpi eq, %get3A_249, %eq3A_254 : vector<16xi32>
    %add3A_256 = arith.addi %get3A_252, %get3A_6 : vector<16xi32>
    %select_n3A_257 = arith.select %eq3A_255, %add3A_256, %get3A_252 : vector<16xi1>, vector<16xi32>
    %eq3A_258 = arith.constant 1 : i32
    %eq3A_259 = vector.broadcast %eq3A_258 : i32 to vector<16xi32>
    %eq3A_260 = arith.cmpi eq, %get3A_249, %eq3A_259 : vector<16xi32>
    %add3A_261 = arith.addi %get3A_252, %get3A_11 : vector<16xi32>
    %select_n3A_262 = arith.select %eq3A_260, %add3A_261, %select_n3A_257 : vector<16xi1>, vector<16xi32>
    %eq3A_263 = arith.constant 2 : i32
    %eq3A_264 = vector.broadcast %eq3A_263 : i32 to vector<16xi32>
    %eq3A_265 = arith.cmpi eq, %get3A_249, %eq3A_264 : vector<16xi32>
    %add3A_266 = arith.addi %get3A_252, %get3A_16 : vector<16xi32>
    %select_n3A_267 = arith.select %eq3A_265, %add3A_266, %select_n3A_262 : vector<16xi1>, vector<16xi32>
    %eq3A_268 = arith.constant 3 : i32
    %eq3A_269 = vector.broadcast %eq3A_268 : i32 to vector<16xi32>
    %eq3A_270 = arith.cmpi eq, %get3A_249, %eq3A_269 : vector<16xi32>
    %add3A_271 = arith.addi %get3A_252, %get3A_21 : vector<16xi32>
    %select_n3A_272 = arith.select %eq3A_270, %add3A_271, %select_n3A_267 : vector<16xi1>, vector<16xi32>
    %eq3A_273 = arith.constant 4 : i32
    %eq3A_274 = vector.broadcast %eq3A_273 : i32 to vector<16xi32>
    %eq3A_275 = arith.cmpi eq, %get3A_249, %eq3A_274 : vector<16xi32>
    %add3A_276 = arith.addi %get3A_252, %get3A_26 : vector<16xi32>
    %select_n3A_277 = arith.select %eq3A_275, %add3A_276, %select_n3A_272 : vector<16xi1>, vector<16xi32>
    %eq3A_278 = arith.constant 5 : i32
    %eq3A_279 = vector.broadcast %eq3A_278 : i32 to vector<16xi32>
    %eq3A_280 = arith.cmpi eq, %get3A_249, %eq3A_279 : vector<16xi32>
    %add3A_281 = arith.addi %get3A_252, %get3A_31 : vector<16xi32>
    %select_n3A_282 = arith.select %eq3A_280, %add3A_281, %select_n3A_277 : vector<16xi1>, vector<16xi32>
    %eq3A_283 = arith.constant 6 : i32
    %eq3A_284 = vector.broadcast %eq3A_283 : i32 to vector<16xi32>
    %eq3A_285 = arith.cmpi eq, %get3A_249, %eq3A_284 : vector<16xi32>
    %add3A_286 = arith.addi %get3A_252, %get3A_36 : vector<16xi32>
    %select_n3A_287 = arith.select %eq3A_285, %add3A_286, %select_n3A_282 : vector<16xi1>, vector<16xi32>
    %eq3A_288 = arith.constant 7 : i32
    %eq3A_289 = vector.broadcast %eq3A_288 : i32 to vector<16xi32>
    %eq3A_290 = arith.cmpi eq, %get3A_249, %eq3A_289 : vector<16xi32>
    %add3A_291 = arith.addi %get3A_252, %get3A_41 : vector<16xi32>
    %select_n3A_292 = arith.select %eq3A_290, %add3A_291, %select_n3A_287 : vector<16xi1>, vector<16xi32>
    %swap3A_293 = arith.constant 2 : i32
    %swap3A_294 = arith.index_cast %swap3A_293 : i32 to index
    %swap3A_295 = arith.constant 0 : index
    %swap3A_296 = tpu.vector_load %arg10[%swap3A_294, %swap3A_295] {strides = array<i32>} : memref<4x32xi32, #tpu.memory_space<vmem>>, vector<1x16xi32>,
    %swap3A_297 = vector.shape_cast %swap3A_296 : vector<1x16xi32> to vector<16xi32>
    %swap3A_298 = vector.shape_cast %select_n3A_292 : vector<16xi32> to vector<1x16xi32>
    tpu.vector_store %arg10[%swap3A_294, %swap3A_295], %swap3A_298 {strides = array<i32>} : memref<4x32xi32, #tpu.memory_space<vmem>>, vector<1x16xi32>,
    %get3A_299 = arith.constant 80 : index
    %get3A_300 = tpu.vector_load %arg7[%get3A_299] {strides = array<i32>} : memref<128xi32, #tpu.memory_space<vmem>>, vector<16xi32>,
    %get3A_301 = vector.shape_cast %get3A_300 : vector<16xi32> to vector<16xi32>
    %get3A_302 = arith.constant 80 : index
    %get3A_303 = tpu.vector_load %arg8[%get3A_302] {strides = array<i32>} : memref<128xi32, #tpu.memory_space<vmem>>, vector<16xi32>,
    %get3A_304 = vector.shape_cast %get3A_303 : vector<16xi32> to vector<16xi32>
    %eq3A_305 = arith.constant 0 : i32
    %eq3A_306 = vector.broadcast %eq3A_305 : i32 to vector<16xi32>
    %eq3A_307 = arith.cmpi eq, %get3A_301, %eq3A_306 : vector<16xi32>
    %add3A_308 = arith.addi %get3A_304, %get3A_6 : vector<16xi32>
    %select_n3A_309 = arith.select %eq3A_307, %add3A_308, %get3A_304 : vector<16xi1>, vector<16xi32>
    %eq3A_310 = arith.constant 1 : i32
    %eq3A_311 = vector.broadcast %eq3A_310 : i32 to vector<16xi32>
    %eq3A_312 = arith.cmpi eq, %get3A_301, %eq3A_311 : vector<16xi32>
    %add3A_313 = arith.addi %get3A_304, %get3A_11 : vector<16xi32>
    %select_n3A_314 = arith.select %eq3A_312, %add3A_313, %select_n3A_309 : vector<16xi1>, vector<16xi32>
    %eq3A_315 = arith.constant 2 : i32
    %eq3A_316 = vector.broadcast %eq3A_315 : i32 to vector<16xi32>
    %eq3A_317 = arith.cmpi eq, %get3A_301, %eq3A_316 : vector<16xi32>
    %add3A_318 = arith.addi %get3A_304, %get3A_16 : vector<16xi32>
    %select_n3A_319 = arith.select %eq3A_317, %add3A_318, %select_n3A_314 : vector<16xi1>, vector<16xi32>
    %eq3A_320 = arith.constant 3 : i32
    %eq3A_321 = vector.broadcast %eq3A_320 : i32 to vector<16xi32>
    %eq3A_322 = arith.cmpi eq, %get3A_301, %eq3A_321 : vector<16xi32>
    %add3A_323 = arith.addi %get3A_304, %get3A_21 : vector<16xi32>
    %select_n3A_324 = arith.select %eq3A_322, %add3A_323, %select_n3A_319 : vector<16xi1>, vector<16xi32>
    %eq3A_325 = arith.constant 4 : i32
    %eq3A_326 = vector.broadcast %eq3A_325 : i32 to vector<16xi32>
    %eq3A_327 = arith.cmpi eq, %get3A_301, %eq3A_326 : vector<16xi32>
    %add3A_328 = arith.addi %get3A_304, %get3A_26 : vector<16xi32>
    %select_n3A_329 = arith.select %eq3A_327, %add3A_328, %select_n3A_324 : vector<16xi1>, vector<16xi32>
    %eq3A_330 = arith.constant 5 : i32
    %eq3A_331 = vector.broadcast %eq3A_330 : i32 to vector<16xi32>
    %eq3A_332 = arith.cmpi eq, %get3A_301, %eq3A_331 : vector<16xi32>
    %add3A_333 = arith.addi %get3A_304, %get3A_31 : vector<16xi32>
    %select_n3A_334 = arith.select %eq3A_332, %add3A_333, %select_n3A_329 : vector<16xi1>, vector<16xi32>
    %eq3A_335 = arith.constant 6 : i32
    %eq3A_336 = vector.broadcast %eq3A_335 : i32 to vector<16xi32>
    %eq3A_337 = arith.cmpi eq, %get3A_301, %eq3A_336 : vector<16xi32>
    %add3A_338 = arith.addi %get3A_304, %get3A_36 : vector<16xi32>
    %select_n3A_339 = arith.select %eq3A_337, %add3A_338, %select_n3A_334 : vector<16xi1>, vector<16xi32>
    %eq3A_340 = arith.constant 7 : i32
    %eq3A_341 = vector.broadcast %eq3A_340 : i32 to vector<16xi32>
    %eq3A_342 = arith.cmpi eq, %get3A_301, %eq3A_341 : vector<16xi32>
    %add3A_343 = arith.addi %get3A_304, %get3A_41 : vector<16xi32>
    %select_n3A_344 = arith.select %eq3A_342, %add3A_343, %select_n3A_339 : vector<16xi1>, vector<16xi32>
    %swap3A_345 = arith.constant 2 : i32
    %swap3A_346 = arith.index_cast %swap3A_345 : i32 to index
    %swap3A_347 = arith.constant 16 : index
    %swap3A_348 = tpu.vector_load %arg10[%swap3A_346, %swap3A_347] {strides = array<i32>} : memref<4x32xi32, #tpu.memory_space<vmem>>, vector<1x16xi32>,
    %swap3A_349 = vector.shape_cast %swap3A_348 : vector<1x16xi32> to vector<16xi32>
    %swap3A_350 = vector.shape_cast %select_n3A_344 : vector<16xi32> to vector<1x16xi32>
    tpu.vector_store %arg10[%swap3A_346, %swap3A_347], %swap3A_350 {strides = array<i32>} : memref<4x32xi32, #tpu.memory_space<vmem>>, vector<1x16xi32>,
    %get3A_351 = arith.constant 96 : index
    %get3A_352 = tpu.vector_load %arg7[%get3A_351] {strides = array<i32>} : memref<128xi32, #tpu.memory_space<vmem>>, vector<16xi32>,
    %get3A_353 = vector.shape_cast %get3A_352 : vector<16xi32> to vector<16xi32>
    %get3A_354 = arith.constant 96 : index
    %get3A_355 = tpu.vector_load %arg8[%get3A_354] {strides = array<i32>} : memref<128xi32, #tpu.memory_space<vmem>>, vector<16xi32>,
    %get3A_356 = vector.shape_cast %get3A_355 : vector<16xi32> to vector<16xi32>
    %eq3A_357 = arith.constant 0 : i32
    %eq3A_358 = vector.broadcast %eq3A_357 : i32 to vector<16xi32>
    %eq3A_359 = arith.cmpi eq, %get3A_353, %eq3A_358 : vector<16xi32>
    %add3A_360 = arith.addi %get3A_356, %get3A_6 : vector<16xi32>
    %select_n3A_361 = arith.select %eq3A_359, %add3A_360, %get3A_356 : vector<16xi1>, vector<16xi32>
    %eq3A_362 = arith.constant 1 : i32
    %eq3A_363 = vector.broadcast %eq3A_362 : i32 to vector<16xi32>
    %eq3A_364 = arith.cmpi eq, %get3A_353, %eq3A_363 : vector<16xi32>
    %add3A_365 = arith.addi %get3A_356, %get3A_11 : vector<16xi32>
    %select_n3A_366 = arith.select %eq3A_364, %add3A_365, %select_n3A_361 : vector<16xi1>, vector<16xi32>
    %eq3A_367 = arith.constant 2 : i32
    %eq3A_368 = vector.broadcast %eq3A_367 : i32 to vector<16xi32>
    %eq3A_369 = arith.cmpi eq, %get3A_353, %eq3A_368 : vector<16xi32>
    %add3A_370 = arith.addi %get3A_356, %get3A_16 : vector<16xi32>
    %select_n3A_371 = arith.select %eq3A_369, %add3A_370, %select_n3A_366 : vector<16xi1>, vector<16xi32>
    %eq3A_372 = arith.constant 3 : i32
    %eq3A_373 = vector.broadcast %eq3A_372 : i32 to vector<16xi32>
    %eq3A_374 = arith.cmpi eq, %get3A_353, %eq3A_373 : vector<16xi32>
    %add3A_375 = arith.addi %get3A_356, %get3A_21 : vector<16xi32>
    %select_n3A_376 = arith.select %eq3A_374, %add3A_375, %select_n3A_371 : vector<16xi1>, vector<16xi32>
    %eq3A_377 = arith.constant 4 : i32
    %eq3A_378 = vector.broadcast %eq3A_377 : i32 to vector<16xi32>
    %eq3A_379 = arith.cmpi eq, %get3A_353, %eq3A_378 : vector<16xi32>
    %add3A_380 = arith.addi %get3A_356, %get3A_26 : vector<16xi32>
    %select_n3A_381 = arith.select %eq3A_379, %add3A_380, %select_n3A_376 : vector<16xi1>, vector<16xi32>
    %eq3A_382 = arith.constant 5 : i32
    %eq3A_383 = vector.broadcast %eq3A_382 : i32 to vector<16xi32>
    %eq3A_384 = arith.cmpi eq, %get3A_353, %eq3A_383 : vector<16xi32>
    %add3A_385 = arith.addi %get3A_356, %get3A_31 : vector<16xi32>
    %select_n3A_386 = arith.select %eq3A_384, %add3A_385, %select_n3A_381 : vector<16xi1>, vector<16xi32>
    %eq3A_387 = arith.constant 6 : i32
    %eq3A_388 = vector.broadcast %eq3A_387 : i32 to vector<16xi32>
    %eq3A_389 = arith.cmpi eq, %get3A_353, %eq3A_388 : vector<16xi32>
    %add3A_390 = arith.addi %get3A_356, %get3A_36 : vector<16xi32>
    %select_n3A_391 = arith.select %eq3A_389, %add3A_390, %select_n3A_386 : vector<16xi1>, vector<16xi32>
    %eq3A_392 = arith.constant 7 : i32
    %eq3A_393 = vector.broadcast %eq3A_392 : i32 to vector<16xi32>
    %eq3A_394 = arith.cmpi eq, %get3A_353, %eq3A_393 : vector<16xi32>
    %add3A_395 = arith.addi %get3A_356, %get3A_41 : vector<16xi32>
    %select_n3A_396 = arith.select %eq3A_394, %add3A_395, %select_n3A_391 : vector<16xi1>, vector<16xi32>
    %swap3A_397 = arith.constant 3 : i32
    %swap3A_398 = arith.index_cast %swap3A_397 : i32 to index
    %swap3A_399 = arith.constant 0 : index
    %swap3A_400 = tpu.vector_load %arg10[%swap3A_398, %swap3A_399] {strides = array<i32>} : memref<4x32xi32, #tpu.memory_space<vmem>>, vector<1x16xi32>,
    %swap3A_401 = vector.shape_cast %swap3A_400 : vector<1x16xi32> to vector<16xi32>
    %swap3A_402 = vector.shape_cast %select_n3A_396 : vector<16xi32> to vector<1x16xi32>
    tpu.vector_store %arg10[%swap3A_398, %swap3A_399], %swap3A_402 {strides = array<i32>} : memref<4x32xi32, #tpu.memory_space<vmem>>, vector<1x16xi32>,
    %get3A_403 = arith.constant 112 : index
    %get3A_404 = tpu.vector_load %arg7[%get3A_403] {strides = array<i32>} : memref<128xi32, #tpu.memory_space<vmem>>, vector<16xi32>,
    %get3A_405 = vector.shape_cast %get3A_404 : vector<16xi32> to vector<16xi32>
    %get3A_406 = arith.constant 112 : index
    %get3A_407 = tpu.vector_load %arg8[%get3A_406] {strides = array<i32>} : memref<128xi32, #tpu.memory_space<vmem>>, vector<16xi32>,
    %get3A_408 = vector.shape_cast %get3A_407 : vector<16xi32> to vector<16xi32>
    %eq3A_409 = arith.constant 0 : i32
    %eq3A_410 = vector.broadcast %eq3A_409 : i32 to vector<16xi32>
    %eq3A_411 = arith.cmpi eq, %get3A_405, %eq3A_410 : vector<16xi32>
    %add3A_412 = arith.addi %get3A_408, %get3A_6 : vector<16xi32>
    %select_n3A_413 = arith.select %eq3A_411, %add3A_412, %get3A_408 : vector<16xi1>, vector<16xi32>
    %eq3A_414 = arith.constant 1 : i32
    %eq3A_415 = vector.broadcast %eq3A_414 : i32 to vector<16xi32>
    %eq3A_416 = arith.cmpi eq, %get3A_405, %eq3A_415 : vector<16xi32>
    %add3A_417 = arith.addi %get3A_408, %get3A_11 : vector<16xi32>
    %select_n3A_418 = arith.select %eq3A_416, %add3A_417, %select_n3A_413 : vector<16xi1>, vector<16xi32>
    %eq3A_419 = arith.constant 2 : i32
    %eq3A_420 = vector.broadcast %eq3A_419 : i32 to vector<16xi32>
    %eq3A_421 = arith.cmpi eq, %get3A_405, %eq3A_420 : vector<16xi32>
    %add3A_422 = arith.addi %get3A_408, %get3A_16 : vector<16xi32>
    %select_n3A_423 = arith.select %eq3A_421, %add3A_422, %select_n3A_418 : vector<16xi1>, vector<16xi32>
    %eq3A_424 = arith.constant 3 : i32
    %eq3A_425 = vector.broadcast %eq3A_424 : i32 to vector<16xi32>
    %eq3A_426 = arith.cmpi eq, %get3A_405, %eq3A_425 : vector<16xi32>
    %add3A_427 = arith.addi %get3A_408, %get3A_21 : vector<16xi32>
    %select_n3A_428 = arith.select %eq3A_426, %add3A_427, %select_n3A_423 : vector<16xi1>, vector<16xi32>
    %eq3A_429 = arith.constant 4 : i32
    %eq3A_430 = vector.broadcast %eq3A_429 : i32 to vector<16xi32>
    %eq3A_431 = arith.cmpi eq, %get3A_405, %eq3A_430 : vector<16xi32>
    %add3A_432 = arith.addi %get3A_408, %get3A_26 : vector<16xi32>
    %select_n3A_433 = arith.select %eq3A_431, %add3A_432, %select_n3A_428 : vector<16xi1>, vector<16xi32>
    %eq3A_434 = arith.constant 5 : i32
    %eq3A_435 = vector.broadcast %eq3A_434 : i32 to vector<16xi32>
    %eq3A_436 = arith.cmpi eq, %get3A_405, %eq3A_435 : vector<16xi32>
    %add3A_437 = arith.addi %get3A_408, %get3A_31 : vector<16xi32>
    %select_n3A_438 = arith.select %eq3A_436, %add3A_437, %select_n3A_433 : vector<16xi1>, vector<16xi32>
    %eq3A_439 = arith.constant 6 : i32
    %eq3A_440 = vector.broadcast %eq3A_439 : i32 to vector<16xi32>
    %eq3A_441 = arith.cmpi eq, %get3A_405, %eq3A_440 : vector<16xi32>
    %add3A_442 = arith.addi %get3A_408, %get3A_36 : vector<16xi32>
    %select_n3A_443 = arith.select %eq3A_441, %add3A_442, %select_n3A_438 : vector<16xi1>, vector<16xi32>
    %eq3A_444 = arith.constant 7 : i32
    %eq3A_445 = vector.broadcast %eq3A_444 : i32 to vector<16xi32>
    %eq3A_446 = arith.cmpi eq, %get3A_405, %eq3A_445 : vector<16xi32>
    %add3A_447 = arith.addi %get3A_408, %get3A_41 : vector<16xi32>
    %select_n3A_448 = arith.select %eq3A_446, %add3A_447, %select_n3A_443 : vector<16xi1>, vector<16xi32>
    %swap3A_449 = arith.constant 3 : i32
    %swap3A_450 = arith.index_cast %swap3A_449 : i32 to index
    %swap3A_451 = arith.constant 16 : index
    %swap3A_452 = tpu.vector_load %arg10[%swap3A_450, %swap3A_451] {strides = array<i32>} : memref<4x32xi32, #tpu.memory_space<vmem>>, vector<1x16xi32>,
    %swap3A_453 = vector.shape_cast %swap3A_452 : vector<1x16xi32> to vector<16xi32>
    %swap3A_454 = vector.shape_cast %select_n3A_448 : vector<16xi32> to vector<1x16xi32>
    tpu.vector_store %arg10[%swap3A_450, %swap3A_451], %swap3A_454 {strides = array<i32>} : memref<4x32xi32, #tpu.memory_space<vmem>>, vector<1x16xi32>,
    %dma_start3A = arith.constant 0 : i32
    %dma_start3A_455 = arith.constant 0 : i32
    %dma_start3A_456 = tpu.memref_slice %arg10[%dma_start3A, %dma_start3A_455] : memref<4x32xi32, #tpu.memory_space<vmem>> -> memref<1x32xi32, #tpu.memory_space<vmem>>
    %dma_start3A_457 = tpu.memref_squeeze %dma_start3A_456 : memref<1x32xi32, #tpu.memory_space<vmem>> -> memref<32xi32, #tpu.memory_space<vmem>>
    %dma_start3A_458 = arith.constant 0 : i32
    %dma_start3A_459 = arith.constant 0 : i32
    %dma_start3A_460 = tpu.memref_slice %arg2[%dma_start3A_458, %dma_start3A_459] : memref<6144x1024xf32, #tpu.memory_space<hbm>> -> memref<6144x1024xf32, #tpu.memory_space<hbm>>
    tpu.enqueue_indirect_dma source(%dma_start3A_460 : memref<6144x1024xf32, #tpu.memory_space<hbm>>) target(%arg11 : memref<32x1024xf32, #tpu.memory_space<vmem>>) offsets(%dma_start3A_457 : memref<32xi32, #tpu.memory_space<vmem>>) semaphore(%arg13 : memref<!tpu.dma_semaphore, #tpu.memory_space<semaphore_mem>>)
    %dma_start3A_461 = arith.constant 1 : i32
    %dma_start3A_462 = arith.constant 0 : i32
    %dma_start3A_463 = tpu.memref_slice %arg10[%dma_start3A_461, %dma_start3A_462] : memref<4x32xi32, #tpu.memory_space<vmem>> -> memref<1x32xi32, #tpu.memory_space<vmem>>
    %dma_start3A_464 = tpu.memref_squeeze %dma_start3A_463 : memref<1x32xi32, #tpu.memory_space<vmem>> -> memref<32xi32, #tpu.memory_space<vmem>>
    %dma_start3A_465 = arith.constant 0 : i32
    %dma_start3A_466 = arith.constant 0 : i32
    %dma_start3A_467 = tpu.memref_slice %arg2[%dma_start3A_465, %dma_start3A_466] : memref<6144x1024xf32, #tpu.memory_space<hbm>> -> memref<6144x1024xf32, #tpu.memory_space<hbm>>
    tpu.enqueue_indirect_dma source(%dma_start3A_467 : memref<6144x1024xf32, #tpu.memory_space<hbm>>) target(%arg12 : memref<32x1024xf32, #tpu.memory_space<vmem>>) offsets(%dma_start3A_464 : memref<32xi32, #tpu.memory_space<vmem>>) semaphore(%arg14 : memref<!tpu.dma_semaphore, #tpu.memory_space<semaphore_mem>>)
    %dma_wait3A = arith.constant 0 : i32
    %dma_wait3A_468 = arith.constant 0 : i32
    %dma_wait3A_469 = tpu.memref_slice %arg10[%dma_wait3A, %dma_wait3A_468] : memref<4x32xi32, #tpu.memory_space<vmem>> -> memref<1x32xi32, #tpu.memory_space<vmem>>
    %dma_wait3A_470 = tpu.memref_squeeze %dma_wait3A_469 : memref<1x32xi32, #tpu.memory_space<vmem>> -> memref<32xi32, #tpu.memory_space<vmem>>
    %dma_wait3A_471 = arith.constant 0 : i32
    %dma_wait3A_472 = arith.constant 0 : i32
    %dma_wait3A_473 = tpu.memref_slice %arg2[%dma_wait3A_471, %dma_wait3A_472] : memref<6144x1024xf32, #tpu.memory_space<hbm>> -> memref<6144x1024xf32, #tpu.memory_space<hbm>>
    tpu.wait_indirect_dma semaphore(%arg13 : memref<!tpu.dma_semaphore, #tpu.memory_space<semaphore_mem>>) src(%dma_wait3A_473 : memref<6144x1024xf32, #tpu.memory_space<hbm>>) dst(%arg11 : memref<32x1024xf32, #tpu.memory_space<vmem>>)
    %add3A_474 = arith.constant 0 : i32
    %add3A_475 = arith.addi %mul3A_2, %add3A_474 : i32
    %dma_start3A_476 = arith.constant 0 : i32
    %dma_start3A_477 = tpu.memref_slice %arg6[%add3A_475, %dma_start3A_476] : memref<4096x1024xf32, #tpu.memory_space<hbm>> -> memref<32x1024xf32, #tpu.memory_space<hbm>>
    %dma_start3A_478 = arith.constant 0 : i32
    %dma_start3A_479 = tpu.memref_slice %arg6[%add3A_475, %dma_start3A_478] : memref<4096x1024xf32, #tpu.memory_space<hbm>> -> memref<32x1024xf32, #tpu.memory_space<hbm>>
    tpu.enqueue_dma source(%arg11 : memref<32x1024xf32, #tpu.memory_space<vmem>>) target(%dma_start3A_479 : memref<32x1024xf32, #tpu.memory_space<hbm>>) target_semaphore(%arg15 : memref<!tpu.dma_semaphore, #tpu.memory_space<semaphore_mem>>)
    %dma_wait3A_480 = arith.constant 0 : i32
    %dma_wait3A_481 = tpu.memref_slice %arg6[%add3A_475, %dma_wait3A_480] : memref<4096x1024xf32, #tpu.memory_space<hbm>> -> memref<32x1024xf32, #tpu.memory_space<hbm>>
    %dma_wait3A_482 = arith.constant 0 : i32
    %dma_wait3A_483 = tpu.memref_slice %arg6[%add3A_475, %dma_wait3A_482] : memref<4096x1024xf32, #tpu.memory_space<hbm>> -> memref<32x1024xf32, #tpu.memory_space<hbm>>
    tpu.wait_dma2 semaphore(%arg15 : memref<!tpu.dma_semaphore, #tpu.memory_space<semaphore_mem>>) src(%arg11 : memref<32x1024xf32, #tpu.memory_space<vmem>>) dst(%dma_wait3A_483 : memref<32x1024xf32, #tpu.memory_space<hbm>>)
    %dma_start3A_484 = arith.constant 2 : i32
    %dma_start3A_485 = arith.constant 0 : i32
    %dma_start3A_486 = tpu.memref_slice %arg10[%dma_start3A_484, %dma_start3A_485] : memref<4x32xi32, #tpu.memory_space<vmem>> -> memref<1x32xi32, #tpu.memory_space<vmem>>
    %dma_start3A_487 = tpu.memref_squeeze %dma_start3A_486 : memref<1x32xi32, #tpu.memory_space<vmem>> -> memref<32xi32, #tpu.memory_space<vmem>>
    %dma_start3A_488 = arith.constant 0 : i32
    %dma_start3A_489 = arith.constant 0 : i32
    %dma_start3A_490 = tpu.memref_slice %arg2[%dma_start3A_488, %dma_start3A_489] : memref<6144x1024xf32, #tpu.memory_space<hbm>> -> memref<6144x1024xf32, #tpu.memory_space<hbm>>
    tpu.enqueue_indirect_dma source(%dma_start3A_490 : memref<6144x1024xf32, #tpu.memory_space<hbm>>) target(%arg11 : memref<32x1024xf32, #tpu.memory_space<vmem>>) offsets(%dma_start3A_487 : memref<32xi32, #tpu.memory_space<vmem>>) semaphore(%arg13 : memref<!tpu.dma_semaphore, #tpu.memory_space<semaphore_mem>>)
    %dma_wait3A_491 = arith.constant 1 : i32
    %dma_wait3A_492 = arith.constant 0 : i32
    %dma_wait3A_493 = tpu.memref_slice %arg10[%dma_wait3A_491, %dma_wait3A_492] : memref<4x32xi32, #tpu.memory_space<vmem>> -> memref<1x32xi32, #tpu.memory_space<vmem>>
    %dma_wait3A_494 = tpu.memref_squeeze %dma_wait3A_493 : memref<1x32xi32, #tpu.memory_space<vmem>> -> memref<32xi32, #tpu.memory_space<vmem>>
    %dma_wait3A_495 = arith.constant 0 : i32
    %dma_wait3A_496 = arith.constant 0 : i32
    %dma_wait3A_497 = tpu.memref_slice %arg2[%dma_wait3A_495, %dma_wait3A_496] : memref<6144x1024xf32, #tpu.memory_space<hbm>> -> memref<6144x1024xf32, #tpu.memory_space<hbm>>
    tpu.wait_indirect_dma semaphore(%arg14 : memref<!tpu.dma_semaphore, #tpu.memory_space<semaphore_mem>>) src(%dma_wait3A_497 : memref<6144x1024xf32, #tpu.memory_space<hbm>>) dst(%arg12 : memref<32x1024xf32, #tpu.memory_space<vmem>>)
    %add3A_498 = arith.constant 32 : i32
    %add3A_499 = arith.addi %mul3A_2, %add3A_498 : i32
    %dma_start3A_500 = arith.constant 0 : i32
    %dma_start3A_501 = tpu.memref_slice %arg6[%add3A_499, %dma_start3A_500] : memref<4096x1024xf32, #tpu.memory_space<hbm>> -> memref<32x1024xf32, #tpu.memory_space<hbm>>
    %dma_start3A_502 = arith.constant 0 : i32
    %dma_start3A_503 = tpu.memref_slice %arg6[%add3A_499, %dma_start3A_502] : memref<4096x1024xf32, #tpu.memory_space<hbm>> -> memref<32x1024xf32, #tpu.memory_space<hbm>>
    tpu.enqueue_dma source(%arg12 : memref<32x1024xf32, #tpu.memory_space<vmem>>) target(%dma_start3A_503 : memref<32x1024xf32, #tpu.memory_space<hbm>>) target_semaphore(%arg16 : memref<!tpu.dma_semaphore, #tpu.memory_space<semaphore_mem>>)
    %dma_wait3A_504 = arith.constant 0 : i32
    %dma_wait3A_505 = tpu.memref_slice %arg6[%add3A_499, %dma_wait3A_504] : memref<4096x1024xf32, #tpu.memory_space<hbm>> -> memref<32x1024xf32, #tpu.memory_space<hbm>>
    %dma_wait3A_506 = arith.constant 0 : i32
    %dma_wait3A_507 = tpu.memref_slice %arg6[%add3A_499, %dma_wait3A_506] : memref<4096x1024xf32, #tpu.memory_space<hbm>> -> memref<32x1024xf32, #tpu.memory_space<hbm>>
    tpu.wait_dma2 semaphore(%arg16 : memref<!tpu.dma_semaphore, #tpu.memory_space<semaphore_mem>>) src(%arg12 : memref<32x1024xf32, #tpu.memory_space<vmem>>) dst(%dma_wait3A_507 : memref<32x1024xf32, #tpu.memory_space<hbm>>)
    %dma_start3A_508 = arith.constant 3 : i32
    %dma_start3A_509 = arith.constant 0 : i32
    %dma_start3A_510 = tpu.memref_slice %arg10[%dma_start3A_508, %dma_start3A_509] : memref<4x32xi32, #tpu.memory_space<vmem>> -> memref<1x32xi32, #tpu.memory_space<vmem>>
    %dma_start3A_511 = tpu.memref_squeeze %dma_start3A_510 : memref<1x32xi32, #tpu.memory_space<vmem>> -> memref<32xi32, #tpu.memory_space<vmem>>
    %dma_start3A_512 = arith.constant 0 : i32
    %dma_start3A_513 = arith.constant 0 : i32
    %dma_start3A_514 = tpu.memref_slice %arg2[%dma_start3A_512, %dma_start3A_513] : memref<6144x1024xf32, #tpu.memory_space<hbm>> -> memref<6144x1024xf32, #tpu.memory_space<hbm>>
    tpu.enqueue_indirect_dma source(%dma_start3A_514 : memref<6144x1024xf32, #tpu.memory_space<hbm>>) target(%arg12 : memref<32x1024xf32, #tpu.memory_space<vmem>>) offsets(%dma_start3A_511 : memref<32xi32, #tpu.memory_space<vmem>>) semaphore(%arg14 : memref<!tpu.dma_semaphore, #tpu.memory_space<semaphore_mem>>)
    %dma_wait3A_515 = arith.constant 2 : i32
    %dma_wait3A_516 = arith.constant 0 : i32
    %dma_wait3A_517 = tpu.memref_slice %arg10[%dma_wait3A_515, %dma_wait3A_516] : memref<4x32xi32, #tpu.memory_space<vmem>> -> memref<1x32xi32, #tpu.memory_space<vmem>>
    %dma_wait3A_518 = tpu.memref_squeeze %dma_wait3A_517 : memref<1x32xi32, #tpu.memory_space<vmem>> -> memref<32xi32, #tpu.memory_space<vmem>>
    %dma_wait3A_519 = arith.constant 0 : i32
    %dma_wait3A_520 = arith.constant 0 : i32
    %dma_wait3A_521 = tpu.memref_slice %arg2[%dma_wait3A_519, %dma_wait3A_520] : memref<6144x1024xf32, #tpu.memory_space<hbm>> -> memref<6144x1024xf32, #tpu.memory_space<hbm>>
    tpu.wait_indirect_dma semaphore(%arg13 : memref<!tpu.dma_semaphore, #tpu.memory_space<semaphore_mem>>) src(%dma_wait3A_521 : memref<6144x1024xf32, #tpu.memory_space<hbm>>) dst(%arg11 : memref<32x1024xf32, #tpu.memory_space<vmem>>)
    %add3A_522 = arith.constant 64 : i32
    %add3A_523 = arith.addi %mul3A_2, %add3A_522 : i32
    %dma_start3A_524 = arith.constant 0 : i32
    %dma_start3A_525 = tpu.memref_slice %arg6[%add3A_523, %dma_start3A_524] : memref<4096x1024xf32, #tpu.memory_space<hbm>> -> memref<32x1024xf32, #tpu.memory_space<hbm>>
    %dma_start3A_526 = arith.constant 0 : i32
    %dma_start3A_527 = tpu.memref_slice %arg6[%add3A_523, %dma_start3A_526] : memref<4096x1024xf32, #tpu.memory_space<hbm>> -> memref<32x1024xf32, #tpu.memory_space<hbm>>
    tpu.enqueue_dma source(%arg11 : memref<32x1024xf32, #tpu.memory_space<vmem>>) target(%dma_start3A_527 : memref<32x1024xf32, #tpu.memory_space<hbm>>) target_semaphore(%arg15 : memref<!tpu.dma_semaphore, #tpu.memory_space<semaphore_mem>>)
    %dma_wait3A_528 = arith.constant 0 : i32
    %dma_wait3A_529 = tpu.memref_slice %arg6[%add3A_523, %dma_wait3A_528] : memref<4096x1024xf32, #tpu.memory_space<hbm>> -> memref<32x1024xf32, #tpu.memory_space<hbm>>
    %dma_wait3A_530 = arith.constant 0 : i32
    %dma_wait3A_531 = tpu.memref_slice %arg6[%add3A_523, %dma_wait3A_530] : memref<4096x1024xf32, #tpu.memory_space<hbm>> -> memref<32x1024xf32, #tpu.memory_space<hbm>>
    tpu.wait_dma2 semaphore(%arg15 : memref<!tpu.dma_semaphore, #tpu.memory_space<semaphore_mem>>) src(%arg11 : memref<32x1024xf32, #tpu.memory_space<vmem>>) dst(%dma_wait3A_531 : memref<32x1024xf32, #tpu.memory_space<hbm>>)
    %dma_wait3A_532 = arith.constant 3 : i32
    %dma_wait3A_533 = arith.constant 0 : i32
    %dma_wait3A_534 = tpu.memref_slice %arg10[%dma_wait3A_532, %dma_wait3A_533] : memref<4x32xi32, #tpu.memory_space<vmem>> -> memref<1x32xi32, #tpu.memory_space<vmem>>
    %dma_wait3A_535 = tpu.memref_squeeze %dma_wait3A_534 : memref<1x32xi32, #tpu.memory_space<vmem>> -> memref<32xi32, #tpu.memory_space<vmem>>
    %dma_wait3A_536 = arith.constant 0 : i32
    %dma_wait3A_537 = arith.constant 0 : i32
    %dma_wait3A_538 = tpu.memref_slice %arg2[%dma_wait3A_536, %dma_wait3A_537] : memref<6144x1024xf32, #tpu.memory_space<hbm>> -> memref<6144x1024xf32, #tpu.memory_space<hbm>>
    tpu.wait_indirect_dma semaphore(%arg14 : memref<!tpu.dma_semaphore, #tpu.memory_space<semaphore_mem>>) src(%dma_wait3A_538 : memref<6144x1024xf32, #tpu.memory_space<hbm>>) dst(%arg12 : memref<32x1024xf32, #tpu.memory_space<vmem>>)
    %add3A_539 = arith.constant 96 : i32
    %add3A_540 = arith.addi %mul3A_2, %add3A_539 : i32
    %dma_start3A_541 = arith.constant 0 : i32
    %dma_start3A_542 = tpu.memref_slice %arg6[%add3A_540, %dma_start3A_541] : memref<4096x1024xf32, #tpu.memory_space<hbm>> -> memref<32x1024xf32, #tpu.memory_space<hbm>>
    %dma_start3A_543 = arith.constant 0 : i32
    %dma_start3A_544 = tpu.memref_slice %arg6[%add3A_540, %dma_start3A_543] : memref<4096x1024xf32, #tpu.memory_space<hbm>> -> memref<32x1024xf32, #tpu.memory_space<hbm>>
    tpu.enqueue_dma source(%arg12 : memref<32x1024xf32, #tpu.memory_space<vmem>>) target(%dma_start3A_544 : memref<32x1024xf32, #tpu.memory_space<hbm>>) target_semaphore(%arg16 : memref<!tpu.dma_semaphore, #tpu.memory_space<semaphore_mem>>)
    %dma_wait3A_545 = arith.constant 0 : i32
    %dma_wait3A_546 = tpu.memref_slice %arg6[%add3A_540, %dma_wait3A_545] : memref<4096x1024xf32, #tpu.memory_space<hbm>> -> memref<32x1024xf32, #tpu.memory_space<hbm>>
    %dma_wait3A_547 = arith.constant 0 : i32
    %dma_wait3A_548 = tpu.memref_slice %arg6[%add3A_540, %dma_wait3A_547] : memref<4096x1024xf32, #tpu.memory_space<hbm>> -> memref<32x1024xf32, #tpu.memory_space<hbm>>
    tpu.wait_dma2 semaphore(%arg16 : memref<!tpu.dma_semaphore, #tpu.memory_space<semaphore_mem>>) src(%arg12 : memref<32x1024xf32, #tpu.memory_space<vmem>>) dst(%dma_wait3A_548 : memref<32x1024xf32, #tpu.memory_space<hbm>>)
    return
  }
}

#map = affine_map<(d0, d1) -> (0, 0)>
#map1 = affine_map<(d0, d1) -> (0)>
module attributes {stable_mosaic.version = 14 : i64} {
  func.func @k(%arg0: i32, %arg1: i32, %arg2: memref<4096x1024xf32, #tpu.memory_space<hbm>>, %arg3: memref<4096xi32, #tpu.memory_space<hbm>>, %arg4: memref<4096xi32, #tpu.memory_space<hbm>>, %arg5: memref<8x16xi32, #tpu.memory_space<hbm>>, %arg6: memref<6144x1024xf32, #tpu.memory_space<hbm>>, %arg7: memref<128xi32, #tpu.memory_space<vmem>>, %arg8: memref<128xi32, #tpu.memory_space<vmem>>, %arg9: memref<8x16xi32, #tpu.memory_space<vmem>>, %arg10: memref<4x32xi32, #tpu.memory_space<vmem>>, %arg11: memref<32x1024xf32, #tpu.memory_space<vmem>>, %arg12: memref<32x1024xf32, #tpu.memory_space<vmem>>, %arg13: memref<!tpu.dma_semaphore, #tpu.memory_space<semaphore_mem>>, %arg14: memref<!tpu.dma_semaphore, #tpu.memory_space<semaphore_mem>>, %arg15: memref<!tpu.dma_semaphore, #tpu.memory_space<semaphore_mem>>, %arg16: memref<!tpu.dma_semaphore, #tpu.memory_space<semaphore_mem>>) attributes {dimension_semantics = [#tpu.dimension_semantics<core_parallel>, #tpu.dimension_semantics<subcore_parallel>], iteration_bounds = array<i64: 2, 16>, scalar_prefetch = 0 : i64, scratch_operands = 10 : i64, tpu.core_type = #tpu.core_type<sc_vector_subcore>, window_params = [{transform_indices = #map}, {transform_indices = #map1}, {transform_indices = #map1}, {transform_indices = #map}, {transform_indices = #map}]} {
    %mul3A = arith.constant 2 : i32
    %mul3A_0 = arith.muli %arg1, %mul3A : i32
    %add3A = arith.addi %mul3A_0, %arg0 : i32
    %mul3A_1 = arith.constant 128 : i32
    %mul3A_2 = arith.muli %add3A, %mul3A_1 : i32
    %dma_start3A = arith.constant 0 : i32
    %dma_start3A_3 = tpu.memref_slice %arg2[%mul3A_2, %dma_start3A] : memref<4096x1024xf32, #tpu.memory_space<hbm>> -> memref<32x1024xf32, #tpu.memory_space<hbm>>
    %dma_start3A_4 = arith.constant 0 : i32
    %dma_start3A_5 = tpu.memref_slice %arg2[%mul3A_2, %dma_start3A_4] : memref<4096x1024xf32, #tpu.memory_space<hbm>> -> memref<32x1024xf32, #tpu.memory_space<hbm>>
    tpu.enqueue_dma source(%dma_start3A_5 : memref<32x1024xf32, #tpu.memory_space<hbm>>) target(%arg11 : memref<32x1024xf32, #tpu.memory_space<vmem>>) target_semaphore(%arg13 : memref<!tpu.dma_semaphore, #tpu.memory_space<semaphore_mem>>)
    %add3A_6 = arith.constant 32 : i32
    %add3A_7 = arith.addi %mul3A_2, %add3A_6 : i32
    %dma_start3A_8 = arith.constant 0 : i32
    %dma_start3A_9 = tpu.memref_slice %arg2[%add3A_7, %dma_start3A_8] : memref<4096x1024xf32, #tpu.memory_space<hbm>> -> memref<32x1024xf32, #tpu.memory_space<hbm>>
    %dma_start3A_10 = arith.constant 0 : i32
    %dma_start3A_11 = tpu.memref_slice %arg2[%add3A_7, %dma_start3A_10] : memref<4096x1024xf32, #tpu.memory_space<hbm>> -> memref<32x1024xf32, #tpu.memory_space<hbm>>
    tpu.enqueue_dma source(%dma_start3A_11 : memref<32x1024xf32, #tpu.memory_space<hbm>>) target(%arg12 : memref<32x1024xf32, #tpu.memory_space<vmem>>) target_semaphore(%arg14 : memref<!tpu.dma_semaphore, #tpu.memory_space<semaphore_mem>>)
    "tpu.region"() ({
      %run_scoped3A = tpu.sem_alloc : memref<!tpu.dma_semaphore, #tpu.memory_space<semaphore_mem>>
      %dma_start3A_547 = tpu.memref_slice %arg3[%mul3A_2] : memref<4096xi32, #tpu.memory_space<hbm>> -> memref<128xi32, #tpu.memory_space<hbm>>
      %dma_start3A_548 = tpu.memref_slice %arg3[%mul3A_2] : memref<4096xi32, #tpu.memory_space<hbm>> -> memref<128xi32, #tpu.memory_space<hbm>>
      tpu.enqueue_dma source(%dma_start3A_548 : memref<128xi32, #tpu.memory_space<hbm>>) target(%arg7 : memref<128xi32, #tpu.memory_space<vmem>>) target_semaphore(%run_scoped3A : memref<!tpu.dma_semaphore, #tpu.memory_space<semaphore_mem>>)
      %dma_wait3A_549 = tpu.memref_slice %arg3[%mul3A_2] : memref<4096xi32, #tpu.memory_space<hbm>> -> memref<128xi32, #tpu.memory_space<hbm>>
      %dma_wait3A_550 = tpu.memref_slice %arg3[%mul3A_2] : memref<4096xi32, #tpu.memory_space<hbm>> -> memref<128xi32, #tpu.memory_space<hbm>>
      tpu.wait_dma2 semaphore(%run_scoped3A : memref<!tpu.dma_semaphore, #tpu.memory_space<semaphore_mem>>) src(%dma_wait3A_550 : memref<128xi32, #tpu.memory_space<hbm>>) dst(%arg7 : memref<128xi32, #tpu.memory_space<vmem>>)
      tpu.yield
    }) : () -> ()
    "tpu.region"() ({
      %run_scoped3A = tpu.sem_alloc : memref<!tpu.dma_semaphore, #tpu.memory_space<semaphore_mem>>
      %dma_start3A_547 = tpu.memref_slice %arg4[%mul3A_2] : memref<4096xi32, #tpu.memory_space<hbm>> -> memref<128xi32, #tpu.memory_space<hbm>>
      %dma_start3A_548 = tpu.memref_slice %arg4[%mul3A_2] : memref<4096xi32, #tpu.memory_space<hbm>> -> memref<128xi32, #tpu.memory_space<hbm>>
      tpu.enqueue_dma source(%dma_start3A_548 : memref<128xi32, #tpu.memory_space<hbm>>) target(%arg8 : memref<128xi32, #tpu.memory_space<vmem>>) target_semaphore(%run_scoped3A : memref<!tpu.dma_semaphore, #tpu.memory_space<semaphore_mem>>)
      %dma_wait3A_549 = tpu.memref_slice %arg4[%mul3A_2] : memref<4096xi32, #tpu.memory_space<hbm>> -> memref<128xi32, #tpu.memory_space<hbm>>
      %dma_wait3A_550 = tpu.memref_slice %arg4[%mul3A_2] : memref<4096xi32, #tpu.memory_space<hbm>> -> memref<128xi32, #tpu.memory_space<hbm>>
      tpu.wait_dma2 semaphore(%run_scoped3A : memref<!tpu.dma_semaphore, #tpu.memory_space<semaphore_mem>>) src(%dma_wait3A_550 : memref<128xi32, #tpu.memory_space<hbm>>) dst(%arg8 : memref<128xi32, #tpu.memory_space<vmem>>)
      tpu.yield
    }) : () -> ()
    "tpu.region"() ({
      %run_scoped3A = tpu.sem_alloc : memref<!tpu.dma_semaphore, #tpu.memory_space<semaphore_mem>>
      tpu.enqueue_dma source(%arg5 : memref<8x16xi32, #tpu.memory_space<hbm>>) target(%arg9 : memref<8x16xi32, #tpu.memory_space<vmem>>) target_semaphore(%run_scoped3A : memref<!tpu.dma_semaphore, #tpu.memory_space<semaphore_mem>>)
      tpu.wait_dma2 semaphore(%run_scoped3A : memref<!tpu.dma_semaphore, #tpu.memory_space<semaphore_mem>>) src(%arg5 : memref<8x16xi32, #tpu.memory_space<hbm>>) dst(%arg9 : memref<8x16xi32, #tpu.memory_space<vmem>>)
      tpu.yield
    }) : () -> ()
    %get3A = arith.constant 0 : i32
    %get3A_12 = arith.index_cast %get3A : i32 to index
    %get3A_13 = arith.constant 0 : index
    %get3A_14 = tpu.vector_load %arg9[%get3A_12, %get3A_13] {strides = array<i32>} : memref<8x16xi32, #tpu.memory_space<vmem>>, vector<1x16xi32>,
    %get3A_15 = vector.shape_cast %get3A_14 : vector<1x16xi32> to vector<16xi32>
    %get3A_16 = arith.constant 1 : i32
    %get3A_17 = arith.index_cast %get3A_16 : i32 to index
    %get3A_18 = arith.constant 0 : index
    %get3A_19 = tpu.vector_load %arg9[%get3A_17, %get3A_18] {strides = array<i32>} : memref<8x16xi32, #tpu.memory_space<vmem>>, vector<1x16xi32>,
    %get3A_20 = vector.shape_cast %get3A_19 : vector<1x16xi32> to vector<16xi32>
    %get3A_21 = arith.constant 2 : i32
    %get3A_22 = arith.index_cast %get3A_21 : i32 to index
    %get3A_23 = arith.constant 0 : index
    %get3A_24 = tpu.vector_load %arg9[%get3A_22, %get3A_23] {strides = array<i32>} : memref<8x16xi32, #tpu.memory_space<vmem>>, vector<1x16xi32>,
    %get3A_25 = vector.shape_cast %get3A_24 : vector<1x16xi32> to vector<16xi32>
    %get3A_26 = arith.constant 3 : i32
    %get3A_27 = arith.index_cast %get3A_26 : i32 to index
    %get3A_28 = arith.constant 0 : index
    %get3A_29 = tpu.vector_load %arg9[%get3A_27, %get3A_28] {strides = array<i32>} : memref<8x16xi32, #tpu.memory_space<vmem>>, vector<1x16xi32>,
    %get3A_30 = vector.shape_cast %get3A_29 : vector<1x16xi32> to vector<16xi32>
    %get3A_31 = arith.constant 4 : i32
    %get3A_32 = arith.index_cast %get3A_31 : i32 to index
    %get3A_33 = arith.constant 0 : index
    %get3A_34 = tpu.vector_load %arg9[%get3A_32, %get3A_33] {strides = array<i32>} : memref<8x16xi32, #tpu.memory_space<vmem>>, vector<1x16xi32>,
    %get3A_35 = vector.shape_cast %get3A_34 : vector<1x16xi32> to vector<16xi32>
    %get3A_36 = arith.constant 5 : i32
    %get3A_37 = arith.index_cast %get3A_36 : i32 to index
    %get3A_38 = arith.constant 0 : index
    %get3A_39 = tpu.vector_load %arg9[%get3A_37, %get3A_38] {strides = array<i32>} : memref<8x16xi32, #tpu.memory_space<vmem>>, vector<1x16xi32>,
    %get3A_40 = vector.shape_cast %get3A_39 : vector<1x16xi32> to vector<16xi32>
    %get3A_41 = arith.constant 6 : i32
    %get3A_42 = arith.index_cast %get3A_41 : i32 to index
    %get3A_43 = arith.constant 0 : index
    %get3A_44 = tpu.vector_load %arg9[%get3A_42, %get3A_43] {strides = array<i32>} : memref<8x16xi32, #tpu.memory_space<vmem>>, vector<1x16xi32>,
    %get3A_45 = vector.shape_cast %get3A_44 : vector<1x16xi32> to vector<16xi32>
    %get3A_46 = arith.constant 7 : i32
    %get3A_47 = arith.index_cast %get3A_46 : i32 to index
    %get3A_48 = arith.constant 0 : index
    %get3A_49 = tpu.vector_load %arg9[%get3A_47, %get3A_48] {strides = array<i32>} : memref<8x16xi32, #tpu.memory_space<vmem>>, vector<1x16xi32>,
    %get3A_50 = vector.shape_cast %get3A_49 : vector<1x16xi32> to vector<16xi32>
    %get3A_51 = arith.constant 0 : index
    %get3A_52 = tpu.vector_load %arg7[%get3A_51] {strides = array<i32>} : memref<128xi32, #tpu.memory_space<vmem>>, vector<16xi32>,
    %get3A_53 = vector.shape_cast %get3A_52 : vector<16xi32> to vector<16xi32>
    %get3A_54 = arith.constant 0 : index
    %get3A_55 = tpu.vector_load %arg8[%get3A_54] {strides = array<i32>} : memref<128xi32, #tpu.memory_space<vmem>>, vector<16xi32>,
    %get3A_56 = vector.shape_cast %get3A_55 : vector<16xi32> to vector<16xi32>
    %eq3A = arith.constant 0 : i32
    %eq3A_57 = vector.broadcast %eq3A : i32 to vector<16xi32>
    %eq3A_58 = arith.cmpi eq, %get3A_53, %eq3A_57 : vector<16xi32>
    %add3A_59 = arith.addi %get3A_56, %get3A_15 : vector<16xi32>
    %select_n3A = arith.select %eq3A_58, %add3A_59, %get3A_56 : vector<16xi1>, vector<16xi32>
    %eq3A_60 = arith.constant 1 : i32
    %eq3A_61 = vector.broadcast %eq3A_60 : i32 to vector<16xi32>
    %eq3A_62 = arith.cmpi eq, %get3A_53, %eq3A_61 : vector<16xi32>
    %add3A_63 = arith.addi %get3A_56, %get3A_20 : vector<16xi32>
    %select_n3A_64 = arith.select %eq3A_62, %add3A_63, %select_n3A : vector<16xi1>, vector<16xi32>
    %eq3A_65 = arith.constant 2 : i32
    %eq3A_66 = vector.broadcast %eq3A_65 : i32 to vector<16xi32>
    %eq3A_67 = arith.cmpi eq, %get3A_53, %eq3A_66 : vector<16xi32>
    %add3A_68 = arith.addi %get3A_56, %get3A_25 : vector<16xi32>
    %select_n3A_69 = arith.select %eq3A_67, %add3A_68, %select_n3A_64 : vector<16xi1>, vector<16xi32>
    %eq3A_70 = arith.constant 3 : i32
    %eq3A_71 = vector.broadcast %eq3A_70 : i32 to vector<16xi32>
    %eq3A_72 = arith.cmpi eq, %get3A_53, %eq3A_71 : vector<16xi32>
    %add3A_73 = arith.addi %get3A_56, %get3A_30 : vector<16xi32>
    %select_n3A_74 = arith.select %eq3A_72, %add3A_73, %select_n3A_69 : vector<16xi1>, vector<16xi32>
    %eq3A_75 = arith.constant 4 : i32
    %eq3A_76 = vector.broadcast %eq3A_75 : i32 to vector<16xi32>
    %eq3A_77 = arith.cmpi eq, %get3A_53, %eq3A_76 : vector<16xi32>
    %add3A_78 = arith.addi %get3A_56, %get3A_35 : vector<16xi32>
    %select_n3A_79 = arith.select %eq3A_77, %add3A_78, %select_n3A_74 : vector<16xi1>, vector<16xi32>
    %eq3A_80 = arith.constant 5 : i32
    %eq3A_81 = vector.broadcast %eq3A_80 : i32 to vector<16xi32>
    %eq3A_82 = arith.cmpi eq, %get3A_53, %eq3A_81 : vector<16xi32>
    %add3A_83 = arith.addi %get3A_56, %get3A_40 : vector<16xi32>
    %select_n3A_84 = arith.select %eq3A_82, %add3A_83, %select_n3A_79 : vector<16xi1>, vector<16xi32>
    %eq3A_85 = arith.constant 6 : i32
    %eq3A_86 = vector.broadcast %eq3A_85 : i32 to vector<16xi32>
    %eq3A_87 = arith.cmpi eq, %get3A_53, %eq3A_86 : vector<16xi32>
    %add3A_88 = arith.addi %get3A_56, %get3A_45 : vector<16xi32>
    %select_n3A_89 = arith.select %eq3A_87, %add3A_88, %select_n3A_84 : vector<16xi1>, vector<16xi32>
    %eq3A_90 = arith.constant 7 : i32
    %eq3A_91 = vector.broadcast %eq3A_90 : i32 to vector<16xi32>
    %eq3A_92 = arith.cmpi eq, %get3A_53, %eq3A_91 : vector<16xi32>
    %add3A_93 = arith.addi %get3A_56, %get3A_50 : vector<16xi32>
    %select_n3A_94 = arith.select %eq3A_92, %add3A_93, %select_n3A_89 : vector<16xi1>, vector<16xi32>
    %swap3A = arith.constant 0 : i32
    %swap3A_95 = arith.index_cast %swap3A : i32 to index
    %swap3A_96 = arith.constant 0 : index
    %swap3A_97 = tpu.vector_load %arg10[%swap3A_95, %swap3A_96] {strides = array<i32>} : memref<4x32xi32, #tpu.memory_space<vmem>>, vector<1x16xi32>,
    %swap3A_98 = vector.shape_cast %swap3A_97 : vector<1x16xi32> to vector<16xi32>
    %swap3A_99 = vector.shape_cast %select_n3A_94 : vector<16xi32> to vector<1x16xi32>
    tpu.vector_store %arg10[%swap3A_95, %swap3A_96], %swap3A_99 {strides = array<i32>} : memref<4x32xi32, #tpu.memory_space<vmem>>, vector<1x16xi32>,
    %get3A_100 = arith.constant 16 : index
    %get3A_101 = tpu.vector_load %arg7[%get3A_100] {strides = array<i32>} : memref<128xi32, #tpu.memory_space<vmem>>, vector<16xi32>,
    %get3A_102 = vector.shape_cast %get3A_101 : vector<16xi32> to vector<16xi32>
    %get3A_103 = arith.constant 16 : index
    %get3A_104 = tpu.vector_load %arg8[%get3A_103] {strides = array<i32>} : memref<128xi32, #tpu.memory_space<vmem>>, vector<16xi32>,
    %get3A_105 = vector.shape_cast %get3A_104 : vector<16xi32> to vector<16xi32>
    %eq3A_106 = arith.constant 0 : i32
    %eq3A_107 = vector.broadcast %eq3A_106 : i32 to vector<16xi32>
    %eq3A_108 = arith.cmpi eq, %get3A_102, %eq3A_107 : vector<16xi32>
    %add3A_109 = arith.addi %get3A_105, %get3A_15 : vector<16xi32>
    %select_n3A_110 = arith.select %eq3A_108, %add3A_109, %get3A_105 : vector<16xi1>, vector<16xi32>
    %eq3A_111 = arith.constant 1 : i32
    %eq3A_112 = vector.broadcast %eq3A_111 : i32 to vector<16xi32>
    %eq3A_113 = arith.cmpi eq, %get3A_102, %eq3A_112 : vector<16xi32>
    %add3A_114 = arith.addi %get3A_105, %get3A_20 : vector<16xi32>
    %select_n3A_115 = arith.select %eq3A_113, %add3A_114, %select_n3A_110 : vector<16xi1>, vector<16xi32>
    %eq3A_116 = arith.constant 2 : i32
    %eq3A_117 = vector.broadcast %eq3A_116 : i32 to vector<16xi32>
    %eq3A_118 = arith.cmpi eq, %get3A_102, %eq3A_117 : vector<16xi32>
    %add3A_119 = arith.addi %get3A_105, %get3A_25 : vector<16xi32>
    %select_n3A_120 = arith.select %eq3A_118, %add3A_119, %select_n3A_115 : vector<16xi1>, vector<16xi32>
    %eq3A_121 = arith.constant 3 : i32
    %eq3A_122 = vector.broadcast %eq3A_121 : i32 to vector<16xi32>
    %eq3A_123 = arith.cmpi eq, %get3A_102, %eq3A_122 : vector<16xi32>
    %add3A_124 = arith.addi %get3A_105, %get3A_30 : vector<16xi32>
    %select_n3A_125 = arith.select %eq3A_123, %add3A_124, %select_n3A_120 : vector<16xi1>, vector<16xi32>
    %eq3A_126 = arith.constant 4 : i32
    %eq3A_127 = vector.broadcast %eq3A_126 : i32 to vector<16xi32>
    %eq3A_128 = arith.cmpi eq, %get3A_102, %eq3A_127 : vector<16xi32>
    %add3A_129 = arith.addi %get3A_105, %get3A_35 : vector<16xi32>
    %select_n3A_130 = arith.select %eq3A_128, %add3A_129, %select_n3A_125 : vector<16xi1>, vector<16xi32>
    %eq3A_131 = arith.constant 5 : i32
    %eq3A_132 = vector.broadcast %eq3A_131 : i32 to vector<16xi32>
    %eq3A_133 = arith.cmpi eq, %get3A_102, %eq3A_132 : vector<16xi32>
    %add3A_134 = arith.addi %get3A_105, %get3A_40 : vector<16xi32>
    %select_n3A_135 = arith.select %eq3A_133, %add3A_134, %select_n3A_130 : vector<16xi1>, vector<16xi32>
    %eq3A_136 = arith.constant 6 : i32
    %eq3A_137 = vector.broadcast %eq3A_136 : i32 to vector<16xi32>
    %eq3A_138 = arith.cmpi eq, %get3A_102, %eq3A_137 : vector<16xi32>
    %add3A_139 = arith.addi %get3A_105, %get3A_45 : vector<16xi32>
    %select_n3A_140 = arith.select %eq3A_138, %add3A_139, %select_n3A_135 : vector<16xi1>, vector<16xi32>
    %eq3A_141 = arith.constant 7 : i32
    %eq3A_142 = vector.broadcast %eq3A_141 : i32 to vector<16xi32>
    %eq3A_143 = arith.cmpi eq, %get3A_102, %eq3A_142 : vector<16xi32>
    %add3A_144 = arith.addi %get3A_105, %get3A_50 : vector<16xi32>
    %select_n3A_145 = arith.select %eq3A_143, %add3A_144, %select_n3A_140 : vector<16xi1>, vector<16xi32>
    %swap3A_146 = arith.constant 0 : i32
    %swap3A_147 = arith.index_cast %swap3A_146 : i32 to index
    %swap3A_148 = arith.constant 16 : index
    %swap3A_149 = tpu.vector_load %arg10[%swap3A_147, %swap3A_148] {strides = array<i32>} : memref<4x32xi32, #tpu.memory_space<vmem>>, vector<1x16xi32>,
    %swap3A_150 = vector.shape_cast %swap3A_149 : vector<1x16xi32> to vector<16xi32>
    %swap3A_151 = vector.shape_cast %select_n3A_145 : vector<16xi32> to vector<1x16xi32>
    tpu.vector_store %arg10[%swap3A_147, %swap3A_148], %swap3A_151 {strides = array<i32>} : memref<4x32xi32, #tpu.memory_space<vmem>>, vector<1x16xi32>,
    %get3A_152 = arith.constant 32 : index
    %get3A_153 = tpu.vector_load %arg7[%get3A_152] {strides = array<i32>} : memref<128xi32, #tpu.memory_space<vmem>>, vector<16xi32>,
    %get3A_154 = vector.shape_cast %get3A_153 : vector<16xi32> to vector<16xi32>
    %get3A_155 = arith.constant 32 : index
    %get3A_156 = tpu.vector_load %arg8[%get3A_155] {strides = array<i32>} : memref<128xi32, #tpu.memory_space<vmem>>, vector<16xi32>,
    %get3A_157 = vector.shape_cast %get3A_156 : vector<16xi32> to vector<16xi32>
    %eq3A_158 = arith.constant 0 : i32
    %eq3A_159 = vector.broadcast %eq3A_158 : i32 to vector<16xi32>
    %eq3A_160 = arith.cmpi eq, %get3A_154, %eq3A_159 : vector<16xi32>
    %add3A_161 = arith.addi %get3A_157, %get3A_15 : vector<16xi32>
    %select_n3A_162 = arith.select %eq3A_160, %add3A_161, %get3A_157 : vector<16xi1>, vector<16xi32>
    %eq3A_163 = arith.constant 1 : i32
    %eq3A_164 = vector.broadcast %eq3A_163 : i32 to vector<16xi32>
    %eq3A_165 = arith.cmpi eq, %get3A_154, %eq3A_164 : vector<16xi32>
    %add3A_166 = arith.addi %get3A_157, %get3A_20 : vector<16xi32>
    %select_n3A_167 = arith.select %eq3A_165, %add3A_166, %select_n3A_162 : vector<16xi1>, vector<16xi32>
    %eq3A_168 = arith.constant 2 : i32
    %eq3A_169 = vector.broadcast %eq3A_168 : i32 to vector<16xi32>
    %eq3A_170 = arith.cmpi eq, %get3A_154, %eq3A_169 : vector<16xi32>
    %add3A_171 = arith.addi %get3A_157, %get3A_25 : vector<16xi32>
    %select_n3A_172 = arith.select %eq3A_170, %add3A_171, %select_n3A_167 : vector<16xi1>, vector<16xi32>
    %eq3A_173 = arith.constant 3 : i32
    %eq3A_174 = vector.broadcast %eq3A_173 : i32 to vector<16xi32>
    %eq3A_175 = arith.cmpi eq, %get3A_154, %eq3A_174 : vector<16xi32>
    %add3A_176 = arith.addi %get3A_157, %get3A_30 : vector<16xi32>
    %select_n3A_177 = arith.select %eq3A_175, %add3A_176, %select_n3A_172 : vector<16xi1>, vector<16xi32>
    %eq3A_178 = arith.constant 4 : i32
    %eq3A_179 = vector.broadcast %eq3A_178 : i32 to vector<16xi32>
    %eq3A_180 = arith.cmpi eq, %get3A_154, %eq3A_179 : vector<16xi32>
    %add3A_181 = arith.addi %get3A_157, %get3A_35 : vector<16xi32>
    %select_n3A_182 = arith.select %eq3A_180, %add3A_181, %select_n3A_177 : vector<16xi1>, vector<16xi32>
    %eq3A_183 = arith.constant 5 : i32
    %eq3A_184 = vector.broadcast %eq3A_183 : i32 to vector<16xi32>
    %eq3A_185 = arith.cmpi eq, %get3A_154, %eq3A_184 : vector<16xi32>
    %add3A_186 = arith.addi %get3A_157, %get3A_40 : vector<16xi32>
    %select_n3A_187 = arith.select %eq3A_185, %add3A_186, %select_n3A_182 : vector<16xi1>, vector<16xi32>
    %eq3A_188 = arith.constant 6 : i32
    %eq3A_189 = vector.broadcast %eq3A_188 : i32 to vector<16xi32>
    %eq3A_190 = arith.cmpi eq, %get3A_154, %eq3A_189 : vector<16xi32>
    %add3A_191 = arith.addi %get3A_157, %get3A_45 : vector<16xi32>
    %select_n3A_192 = arith.select %eq3A_190, %add3A_191, %select_n3A_187 : vector<16xi1>, vector<16xi32>
    %eq3A_193 = arith.constant 7 : i32
    %eq3A_194 = vector.broadcast %eq3A_193 : i32 to vector<16xi32>
    %eq3A_195 = arith.cmpi eq, %get3A_154, %eq3A_194 : vector<16xi32>
    %add3A_196 = arith.addi %get3A_157, %get3A_50 : vector<16xi32>
    %select_n3A_197 = arith.select %eq3A_195, %add3A_196, %select_n3A_192 : vector<16xi1>, vector<16xi32>
    %swap3A_198 = arith.constant 1 : i32
    %swap3A_199 = arith.index_cast %swap3A_198 : i32 to index
    %swap3A_200 = arith.constant 0 : index
    %swap3A_201 = tpu.vector_load %arg10[%swap3A_199, %swap3A_200] {strides = array<i32>} : memref<4x32xi32, #tpu.memory_space<vmem>>, vector<1x16xi32>,
    %swap3A_202 = vector.shape_cast %swap3A_201 : vector<1x16xi32> to vector<16xi32>
    %swap3A_203 = vector.shape_cast %select_n3A_197 : vector<16xi32> to vector<1x16xi32>
    tpu.vector_store %arg10[%swap3A_199, %swap3A_200], %swap3A_203 {strides = array<i32>} : memref<4x32xi32, #tpu.memory_space<vmem>>, vector<1x16xi32>,
    %get3A_204 = arith.constant 48 : index
    %get3A_205 = tpu.vector_load %arg7[%get3A_204] {strides = array<i32>} : memref<128xi32, #tpu.memory_space<vmem>>, vector<16xi32>,
    %get3A_206 = vector.shape_cast %get3A_205 : vector<16xi32> to vector<16xi32>
    %get3A_207 = arith.constant 48 : index
    %get3A_208 = tpu.vector_load %arg8[%get3A_207] {strides = array<i32>} : memref<128xi32, #tpu.memory_space<vmem>>, vector<16xi32>,
    %get3A_209 = vector.shape_cast %get3A_208 : vector<16xi32> to vector<16xi32>
    %eq3A_210 = arith.constant 0 : i32
    %eq3A_211 = vector.broadcast %eq3A_210 : i32 to vector<16xi32>
    %eq3A_212 = arith.cmpi eq, %get3A_206, %eq3A_211 : vector<16xi32>
    %add3A_213 = arith.addi %get3A_209, %get3A_15 : vector<16xi32>
    %select_n3A_214 = arith.select %eq3A_212, %add3A_213, %get3A_209 : vector<16xi1>, vector<16xi32>
    %eq3A_215 = arith.constant 1 : i32
    %eq3A_216 = vector.broadcast %eq3A_215 : i32 to vector<16xi32>
    %eq3A_217 = arith.cmpi eq, %get3A_206, %eq3A_216 : vector<16xi32>
    %add3A_218 = arith.addi %get3A_209, %get3A_20 : vector<16xi32>
    %select_n3A_219 = arith.select %eq3A_217, %add3A_218, %select_n3A_214 : vector<16xi1>, vector<16xi32>
    %eq3A_220 = arith.constant 2 : i32
    %eq3A_221 = vector.broadcast %eq3A_220 : i32 to vector<16xi32>
    %eq3A_222 = arith.cmpi eq, %get3A_206, %eq3A_221 : vector<16xi32>
    %add3A_223 = arith.addi %get3A_209, %get3A_25 : vector<16xi32>
    %select_n3A_224 = arith.select %eq3A_222, %add3A_223, %select_n3A_219 : vector<16xi1>, vector<16xi32>
    %eq3A_225 = arith.constant 3 : i32
    %eq3A_226 = vector.broadcast %eq3A_225 : i32 to vector<16xi32>
    %eq3A_227 = arith.cmpi eq, %get3A_206, %eq3A_226 : vector<16xi32>
    %add3A_228 = arith.addi %get3A_209, %get3A_30 : vector<16xi32>
    %select_n3A_229 = arith.select %eq3A_227, %add3A_228, %select_n3A_224 : vector<16xi1>, vector<16xi32>
    %eq3A_230 = arith.constant 4 : i32
    %eq3A_231 = vector.broadcast %eq3A_230 : i32 to vector<16xi32>
    %eq3A_232 = arith.cmpi eq, %get3A_206, %eq3A_231 : vector<16xi32>
    %add3A_233 = arith.addi %get3A_209, %get3A_35 : vector<16xi32>
    %select_n3A_234 = arith.select %eq3A_232, %add3A_233, %select_n3A_229 : vector<16xi1>, vector<16xi32>
    %eq3A_235 = arith.constant 5 : i32
    %eq3A_236 = vector.broadcast %eq3A_235 : i32 to vector<16xi32>
    %eq3A_237 = arith.cmpi eq, %get3A_206, %eq3A_236 : vector<16xi32>
    %add3A_238 = arith.addi %get3A_209, %get3A_40 : vector<16xi32>
    %select_n3A_239 = arith.select %eq3A_237, %add3A_238, %select_n3A_234 : vector<16xi1>, vector<16xi32>
    %eq3A_240 = arith.constant 6 : i32
    %eq3A_241 = vector.broadcast %eq3A_240 : i32 to vector<16xi32>
    %eq3A_242 = arith.cmpi eq, %get3A_206, %eq3A_241 : vector<16xi32>
    %add3A_243 = arith.addi %get3A_209, %get3A_45 : vector<16xi32>
    %select_n3A_244 = arith.select %eq3A_242, %add3A_243, %select_n3A_239 : vector<16xi1>, vector<16xi32>
    %eq3A_245 = arith.constant 7 : i32
    %eq3A_246 = vector.broadcast %eq3A_245 : i32 to vector<16xi32>
    %eq3A_247 = arith.cmpi eq, %get3A_206, %eq3A_246 : vector<16xi32>
    %add3A_248 = arith.addi %get3A_209, %get3A_50 : vector<16xi32>
    %select_n3A_249 = arith.select %eq3A_247, %add3A_248, %select_n3A_244 : vector<16xi1>, vector<16xi32>
    %swap3A_250 = arith.constant 1 : i32
    %swap3A_251 = arith.index_cast %swap3A_250 : i32 to index
    %swap3A_252 = arith.constant 16 : index
    %swap3A_253 = tpu.vector_load %arg10[%swap3A_251, %swap3A_252] {strides = array<i32>} : memref<4x32xi32, #tpu.memory_space<vmem>>, vector<1x16xi32>,
    %swap3A_254 = vector.shape_cast %swap3A_253 : vector<1x16xi32> to vector<16xi32>
    %swap3A_255 = vector.shape_cast %select_n3A_249 : vector<16xi32> to vector<1x16xi32>
    tpu.vector_store %arg10[%swap3A_251, %swap3A_252], %swap3A_255 {strides = array<i32>} : memref<4x32xi32, #tpu.memory_space<vmem>>, vector<1x16xi32>,
    %get3A_256 = arith.constant 64 : index
    %get3A_257 = tpu.vector_load %arg7[%get3A_256] {strides = array<i32>} : memref<128xi32, #tpu.memory_space<vmem>>, vector<16xi32>,
    %get3A_258 = vector.shape_cast %get3A_257 : vector<16xi32> to vector<16xi32>
    %get3A_259 = arith.constant 64 : index
    %get3A_260 = tpu.vector_load %arg8[%get3A_259] {strides = array<i32>} : memref<128xi32, #tpu.memory_space<vmem>>, vector<16xi32>,
    %get3A_261 = vector.shape_cast %get3A_260 : vector<16xi32> to vector<16xi32>
    %eq3A_262 = arith.constant 0 : i32
    %eq3A_263 = vector.broadcast %eq3A_262 : i32 to vector<16xi32>
    %eq3A_264 = arith.cmpi eq, %get3A_258, %eq3A_263 : vector<16xi32>
    %add3A_265 = arith.addi %get3A_261, %get3A_15 : vector<16xi32>
    %select_n3A_266 = arith.select %eq3A_264, %add3A_265, %get3A_261 : vector<16xi1>, vector<16xi32>
    %eq3A_267 = arith.constant 1 : i32
    %eq3A_268 = vector.broadcast %eq3A_267 : i32 to vector<16xi32>
    %eq3A_269 = arith.cmpi eq, %get3A_258, %eq3A_268 : vector<16xi32>
    %add3A_270 = arith.addi %get3A_261, %get3A_20 : vector<16xi32>
    %select_n3A_271 = arith.select %eq3A_269, %add3A_270, %select_n3A_266 : vector<16xi1>, vector<16xi32>
    %eq3A_272 = arith.constant 2 : i32
    %eq3A_273 = vector.broadcast %eq3A_272 : i32 to vector<16xi32>
    %eq3A_274 = arith.cmpi eq, %get3A_258, %eq3A_273 : vector<16xi32>
    %add3A_275 = arith.addi %get3A_261, %get3A_25 : vector<16xi32>
    %select_n3A_276 = arith.select %eq3A_274, %add3A_275, %select_n3A_271 : vector<16xi1>, vector<16xi32>
    %eq3A_277 = arith.constant 3 : i32
    %eq3A_278 = vector.broadcast %eq3A_277 : i32 to vector<16xi32>
    %eq3A_279 = arith.cmpi eq, %get3A_258, %eq3A_278 : vector<16xi32>
    %add3A_280 = arith.addi %get3A_261, %get3A_30 : vector<16xi32>
    %select_n3A_281 = arith.select %eq3A_279, %add3A_280, %select_n3A_276 : vector<16xi1>, vector<16xi32>
    %eq3A_282 = arith.constant 4 : i32
    %eq3A_283 = vector.broadcast %eq3A_282 : i32 to vector<16xi32>
    %eq3A_284 = arith.cmpi eq, %get3A_258, %eq3A_283 : vector<16xi32>
    %add3A_285 = arith.addi %get3A_261, %get3A_35 : vector<16xi32>
    %select_n3A_286 = arith.select %eq3A_284, %add3A_285, %select_n3A_281 : vector<16xi1>, vector<16xi32>
    %eq3A_287 = arith.constant 5 : i32
    %eq3A_288 = vector.broadcast %eq3A_287 : i32 to vector<16xi32>
    %eq3A_289 = arith.cmpi eq, %get3A_258, %eq3A_288 : vector<16xi32>
    %add3A_290 = arith.addi %get3A_261, %get3A_40 : vector<16xi32>
    %select_n3A_291 = arith.select %eq3A_289, %add3A_290, %select_n3A_286 : vector<16xi1>, vector<16xi32>
    %eq3A_292 = arith.constant 6 : i32
    %eq3A_293 = vector.broadcast %eq3A_292 : i32 to vector<16xi32>
    %eq3A_294 = arith.cmpi eq, %get3A_258, %eq3A_293 : vector<16xi32>
    %add3A_295 = arith.addi %get3A_261, %get3A_45 : vector<16xi32>
    %select_n3A_296 = arith.select %eq3A_294, %add3A_295, %select_n3A_291 : vector<16xi1>, vector<16xi32>
    %eq3A_297 = arith.constant 7 : i32
    %eq3A_298 = vector.broadcast %eq3A_297 : i32 to vector<16xi32>
    %eq3A_299 = arith.cmpi eq, %get3A_258, %eq3A_298 : vector<16xi32>
    %add3A_300 = arith.addi %get3A_261, %get3A_50 : vector<16xi32>
    %select_n3A_301 = arith.select %eq3A_299, %add3A_300, %select_n3A_296 : vector<16xi1>, vector<16xi32>
    %swap3A_302 = arith.constant 2 : i32
    %swap3A_303 = arith.index_cast %swap3A_302 : i32 to index
    %swap3A_304 = arith.constant 0 : index
    %swap3A_305 = tpu.vector_load %arg10[%swap3A_303, %swap3A_304] {strides = array<i32>} : memref<4x32xi32, #tpu.memory_space<vmem>>, vector<1x16xi32>,
    %swap3A_306 = vector.shape_cast %swap3A_305 : vector<1x16xi32> to vector<16xi32>
    %swap3A_307 = vector.shape_cast %select_n3A_301 : vector<16xi32> to vector<1x16xi32>
    tpu.vector_store %arg10[%swap3A_303, %swap3A_304], %swap3A_307 {strides = array<i32>} : memref<4x32xi32, #tpu.memory_space<vmem>>, vector<1x16xi32>,
    %get3A_308 = arith.constant 80 : index
    %get3A_309 = tpu.vector_load %arg7[%get3A_308] {strides = array<i32>} : memref<128xi32, #tpu.memory_space<vmem>>, vector<16xi32>,
    %get3A_310 = vector.shape_cast %get3A_309 : vector<16xi32> to vector<16xi32>
    %get3A_311 = arith.constant 80 : index
    %get3A_312 = tpu.vector_load %arg8[%get3A_311] {strides = array<i32>} : memref<128xi32, #tpu.memory_space<vmem>>, vector<16xi32>,
    %get3A_313 = vector.shape_cast %get3A_312 : vector<16xi32> to vector<16xi32>
    %eq3A_314 = arith.constant 0 : i32
    %eq3A_315 = vector.broadcast %eq3A_314 : i32 to vector<16xi32>
    %eq3A_316 = arith.cmpi eq, %get3A_310, %eq3A_315 : vector<16xi32>
    %add3A_317 = arith.addi %get3A_313, %get3A_15 : vector<16xi32>
    %select_n3A_318 = arith.select %eq3A_316, %add3A_317, %get3A_313 : vector<16xi1>, vector<16xi32>
    %eq3A_319 = arith.constant 1 : i32
    %eq3A_320 = vector.broadcast %eq3A_319 : i32 to vector<16xi32>
    %eq3A_321 = arith.cmpi eq, %get3A_310, %eq3A_320 : vector<16xi32>
    %add3A_322 = arith.addi %get3A_313, %get3A_20 : vector<16xi32>
    %select_n3A_323 = arith.select %eq3A_321, %add3A_322, %select_n3A_318 : vector<16xi1>, vector<16xi32>
    %eq3A_324 = arith.constant 2 : i32
    %eq3A_325 = vector.broadcast %eq3A_324 : i32 to vector<16xi32>
    %eq3A_326 = arith.cmpi eq, %get3A_310, %eq3A_325 : vector<16xi32>
    %add3A_327 = arith.addi %get3A_313, %get3A_25 : vector<16xi32>
    %select_n3A_328 = arith.select %eq3A_326, %add3A_327, %select_n3A_323 : vector<16xi1>, vector<16xi32>
    %eq3A_329 = arith.constant 3 : i32
    %eq3A_330 = vector.broadcast %eq3A_329 : i32 to vector<16xi32>
    %eq3A_331 = arith.cmpi eq, %get3A_310, %eq3A_330 : vector<16xi32>
    %add3A_332 = arith.addi %get3A_313, %get3A_30 : vector<16xi32>
    %select_n3A_333 = arith.select %eq3A_331, %add3A_332, %select_n3A_328 : vector<16xi1>, vector<16xi32>
    %eq3A_334 = arith.constant 4 : i32
    %eq3A_335 = vector.broadcast %eq3A_334 : i32 to vector<16xi32>
    %eq3A_336 = arith.cmpi eq, %get3A_310, %eq3A_335 : vector<16xi32>
    %add3A_337 = arith.addi %get3A_313, %get3A_35 : vector<16xi32>
    %select_n3A_338 = arith.select %eq3A_336, %add3A_337, %select_n3A_333 : vector<16xi1>, vector<16xi32>
    %eq3A_339 = arith.constant 5 : i32
    %eq3A_340 = vector.broadcast %eq3A_339 : i32 to vector<16xi32>
    %eq3A_341 = arith.cmpi eq, %get3A_310, %eq3A_340 : vector<16xi32>
    %add3A_342 = arith.addi %get3A_313, %get3A_40 : vector<16xi32>
    %select_n3A_343 = arith.select %eq3A_341, %add3A_342, %select_n3A_338 : vector<16xi1>, vector<16xi32>
    %eq3A_344 = arith.constant 6 : i32
    %eq3A_345 = vector.broadcast %eq3A_344 : i32 to vector<16xi32>
    %eq3A_346 = arith.cmpi eq, %get3A_310, %eq3A_345 : vector<16xi32>
    %add3A_347 = arith.addi %get3A_313, %get3A_45 : vector<16xi32>
    %select_n3A_348 = arith.select %eq3A_346, %add3A_347, %select_n3A_343 : vector<16xi1>, vector<16xi32>
    %eq3A_349 = arith.constant 7 : i32
    %eq3A_350 = vector.broadcast %eq3A_349 : i32 to vector<16xi32>
    %eq3A_351 = arith.cmpi eq, %get3A_310, %eq3A_350 : vector<16xi32>
    %add3A_352 = arith.addi %get3A_313, %get3A_50 : vector<16xi32>
    %select_n3A_353 = arith.select %eq3A_351, %add3A_352, %select_n3A_348 : vector<16xi1>, vector<16xi32>
    %swap3A_354 = arith.constant 2 : i32
    %swap3A_355 = arith.index_cast %swap3A_354 : i32 to index
    %swap3A_356 = arith.constant 16 : index
    %swap3A_357 = tpu.vector_load %arg10[%swap3A_355, %swap3A_356] {strides = array<i32>} : memref<4x32xi32, #tpu.memory_space<vmem>>, vector<1x16xi32>,
    %swap3A_358 = vector.shape_cast %swap3A_357 : vector<1x16xi32> to vector<16xi32>
    %swap3A_359 = vector.shape_cast %select_n3A_353 : vector<16xi32> to vector<1x16xi32>
    tpu.vector_store %arg10[%swap3A_355, %swap3A_356], %swap3A_359 {strides = array<i32>} : memref<4x32xi32, #tpu.memory_space<vmem>>, vector<1x16xi32>,
    %get3A_360 = arith.constant 96 : index
    %get3A_361 = tpu.vector_load %arg7[%get3A_360] {strides = array<i32>} : memref<128xi32, #tpu.memory_space<vmem>>, vector<16xi32>,
    %get3A_362 = vector.shape_cast %get3A_361 : vector<16xi32> to vector<16xi32>
    %get3A_363 = arith.constant 96 : index
    %get3A_364 = tpu.vector_load %arg8[%get3A_363] {strides = array<i32>} : memref<128xi32, #tpu.memory_space<vmem>>, vector<16xi32>,
    %get3A_365 = vector.shape_cast %get3A_364 : vector<16xi32> to vector<16xi32>
    %eq3A_366 = arith.constant 0 : i32
    %eq3A_367 = vector.broadcast %eq3A_366 : i32 to vector<16xi32>
    %eq3A_368 = arith.cmpi eq, %get3A_362, %eq3A_367 : vector<16xi32>
    %add3A_369 = arith.addi %get3A_365, %get3A_15 : vector<16xi32>
    %select_n3A_370 = arith.select %eq3A_368, %add3A_369, %get3A_365 : vector<16xi1>, vector<16xi32>
    %eq3A_371 = arith.constant 1 : i32
    %eq3A_372 = vector.broadcast %eq3A_371 : i32 to vector<16xi32>
    %eq3A_373 = arith.cmpi eq, %get3A_362, %eq3A_372 : vector<16xi32>
    %add3A_374 = arith.addi %get3A_365, %get3A_20 : vector<16xi32>
    %select_n3A_375 = arith.select %eq3A_373, %add3A_374, %select_n3A_370 : vector<16xi1>, vector<16xi32>
    %eq3A_376 = arith.constant 2 : i32
    %eq3A_377 = vector.broadcast %eq3A_376 : i32 to vector<16xi32>
    %eq3A_378 = arith.cmpi eq, %get3A_362, %eq3A_377 : vector<16xi32>
    %add3A_379 = arith.addi %get3A_365, %get3A_25 : vector<16xi32>
    %select_n3A_380 = arith.select %eq3A_378, %add3A_379, %select_n3A_375 : vector<16xi1>, vector<16xi32>
    %eq3A_381 = arith.constant 3 : i32
    %eq3A_382 = vector.broadcast %eq3A_381 : i32 to vector<16xi32>
    %eq3A_383 = arith.cmpi eq, %get3A_362, %eq3A_382 : vector<16xi32>
    %add3A_384 = arith.addi %get3A_365, %get3A_30 : vector<16xi32>
    %select_n3A_385 = arith.select %eq3A_383, %add3A_384, %select_n3A_380 : vector<16xi1>, vector<16xi32>
    %eq3A_386 = arith.constant 4 : i32
    %eq3A_387 = vector.broadcast %eq3A_386 : i32 to vector<16xi32>
    %eq3A_388 = arith.cmpi eq, %get3A_362, %eq3A_387 : vector<16xi32>
    %add3A_389 = arith.addi %get3A_365, %get3A_35 : vector<16xi32>
    %select_n3A_390 = arith.select %eq3A_388, %add3A_389, %select_n3A_385 : vector<16xi1>, vector<16xi32>
    %eq3A_391 = arith.constant 5 : i32
    %eq3A_392 = vector.broadcast %eq3A_391 : i32 to vector<16xi32>
    %eq3A_393 = arith.cmpi eq, %get3A_362, %eq3A_392 : vector<16xi32>
    %add3A_394 = arith.addi %get3A_365, %get3A_40 : vector<16xi32>
    %select_n3A_395 = arith.select %eq3A_393, %add3A_394, %select_n3A_390 : vector<16xi1>, vector<16xi32>
    %eq3A_396 = arith.constant 6 : i32
    %eq3A_397 = vector.broadcast %eq3A_396 : i32 to vector<16xi32>
    %eq3A_398 = arith.cmpi eq, %get3A_362, %eq3A_397 : vector<16xi32>
    %add3A_399 = arith.addi %get3A_365, %get3A_45 : vector<16xi32>
    %select_n3A_400 = arith.select %eq3A_398, %add3A_399, %select_n3A_395 : vector<16xi1>, vector<16xi32>
    %eq3A_401 = arith.constant 7 : i32
    %eq3A_402 = vector.broadcast %eq3A_401 : i32 to vector<16xi32>
    %eq3A_403 = arith.cmpi eq, %get3A_362, %eq3A_402 : vector<16xi32>
    %add3A_404 = arith.addi %get3A_365, %get3A_50 : vector<16xi32>
    %select_n3A_405 = arith.select %eq3A_403, %add3A_404, %select_n3A_400 : vector<16xi1>, vector<16xi32>
    %swap3A_406 = arith.constant 3 : i32
    %swap3A_407 = arith.index_cast %swap3A_406 : i32 to index
    %swap3A_408 = arith.constant 0 : index
    %swap3A_409 = tpu.vector_load %arg10[%swap3A_407, %swap3A_408] {strides = array<i32>} : memref<4x32xi32, #tpu.memory_space<vmem>>, vector<1x16xi32>,
    %swap3A_410 = vector.shape_cast %swap3A_409 : vector<1x16xi32> to vector<16xi32>
    %swap3A_411 = vector.shape_cast %select_n3A_405 : vector<16xi32> to vector<1x16xi32>
    tpu.vector_store %arg10[%swap3A_407, %swap3A_408], %swap3A_411 {strides = array<i32>} : memref<4x32xi32, #tpu.memory_space<vmem>>, vector<1x16xi32>,
    %get3A_412 = arith.constant 112 : index
    %get3A_413 = tpu.vector_load %arg7[%get3A_412] {strides = array<i32>} : memref<128xi32, #tpu.memory_space<vmem>>, vector<16xi32>,
    %get3A_414 = vector.shape_cast %get3A_413 : vector<16xi32> to vector<16xi32>
    %get3A_415 = arith.constant 112 : index
    %get3A_416 = tpu.vector_load %arg8[%get3A_415] {strides = array<i32>} : memref<128xi32, #tpu.memory_space<vmem>>, vector<16xi32>,
    %get3A_417 = vector.shape_cast %get3A_416 : vector<16xi32> to vector<16xi32>
    %eq3A_418 = arith.constant 0 : i32
    %eq3A_419 = vector.broadcast %eq3A_418 : i32 to vector<16xi32>
    %eq3A_420 = arith.cmpi eq, %get3A_414, %eq3A_419 : vector<16xi32>
    %add3A_421 = arith.addi %get3A_417, %get3A_15 : vector<16xi32>
    %select_n3A_422 = arith.select %eq3A_420, %add3A_421, %get3A_417 : vector<16xi1>, vector<16xi32>
    %eq3A_423 = arith.constant 1 : i32
    %eq3A_424 = vector.broadcast %eq3A_423 : i32 to vector<16xi32>
    %eq3A_425 = arith.cmpi eq, %get3A_414, %eq3A_424 : vector<16xi32>
    %add3A_426 = arith.addi %get3A_417, %get3A_20 : vector<16xi32>
    %select_n3A_427 = arith.select %eq3A_425, %add3A_426, %select_n3A_422 : vector<16xi1>, vector<16xi32>
    %eq3A_428 = arith.constant 2 : i32
    %eq3A_429 = vector.broadcast %eq3A_428 : i32 to vector<16xi32>
    %eq3A_430 = arith.cmpi eq, %get3A_414, %eq3A_429 : vector<16xi32>
    %add3A_431 = arith.addi %get3A_417, %get3A_25 : vector<16xi32>
    %select_n3A_432 = arith.select %eq3A_430, %add3A_431, %select_n3A_427 : vector<16xi1>, vector<16xi32>
    %eq3A_433 = arith.constant 3 : i32
    %eq3A_434 = vector.broadcast %eq3A_433 : i32 to vector<16xi32>
    %eq3A_435 = arith.cmpi eq, %get3A_414, %eq3A_434 : vector<16xi32>
    %add3A_436 = arith.addi %get3A_417, %get3A_30 : vector<16xi32>
    %select_n3A_437 = arith.select %eq3A_435, %add3A_436, %select_n3A_432 : vector<16xi1>, vector<16xi32>
    %eq3A_438 = arith.constant 4 : i32
    %eq3A_439 = vector.broadcast %eq3A_438 : i32 to vector<16xi32>
    %eq3A_440 = arith.cmpi eq, %get3A_414, %eq3A_439 : vector<16xi32>
    %add3A_441 = arith.addi %get3A_417, %get3A_35 : vector<16xi32>
    %select_n3A_442 = arith.select %eq3A_440, %add3A_441, %select_n3A_437 : vector<16xi1>, vector<16xi32>
    %eq3A_443 = arith.constant 5 : i32
    %eq3A_444 = vector.broadcast %eq3A_443 : i32 to vector<16xi32>
    %eq3A_445 = arith.cmpi eq, %get3A_414, %eq3A_444 : vector<16xi32>
    %add3A_446 = arith.addi %get3A_417, %get3A_40 : vector<16xi32>
    %select_n3A_447 = arith.select %eq3A_445, %add3A_446, %select_n3A_442 : vector<16xi1>, vector<16xi32>
    %eq3A_448 = arith.constant 6 : i32
    %eq3A_449 = vector.broadcast %eq3A_448 : i32 to vector<16xi32>
    %eq3A_450 = arith.cmpi eq, %get3A_414, %eq3A_449 : vector<16xi32>
    %add3A_451 = arith.addi %get3A_417, %get3A_45 : vector<16xi32>
    %select_n3A_452 = arith.select %eq3A_450, %add3A_451, %select_n3A_447 : vector<16xi1>, vector<16xi32>
    %eq3A_453 = arith.constant 7 : i32
    %eq3A_454 = vector.broadcast %eq3A_453 : i32 to vector<16xi32>
    %eq3A_455 = arith.cmpi eq, %get3A_414, %eq3A_454 : vector<16xi32>
    %add3A_456 = arith.addi %get3A_417, %get3A_50 : vector<16xi32>
    %select_n3A_457 = arith.select %eq3A_455, %add3A_456, %select_n3A_452 : vector<16xi1>, vector<16xi32>
    %swap3A_458 = arith.constant 3 : i32
    %swap3A_459 = arith.index_cast %swap3A_458 : i32 to index
    %swap3A_460 = arith.constant 16 : index
    %swap3A_461 = tpu.vector_load %arg10[%swap3A_459, %swap3A_460] {strides = array<i32>} : memref<4x32xi32, #tpu.memory_space<vmem>>, vector<1x16xi32>,
    %swap3A_462 = vector.shape_cast %swap3A_461 : vector<1x16xi32> to vector<16xi32>
    %swap3A_463 = vector.shape_cast %select_n3A_457 : vector<16xi32> to vector<1x16xi32>
    tpu.vector_store %arg10[%swap3A_459, %swap3A_460], %swap3A_463 {strides = array<i32>} : memref<4x32xi32, #tpu.memory_space<vmem>>, vector<1x16xi32>,
    %dma_wait3A = arith.constant 0 : i32
    %dma_wait3A_464 = tpu.memref_slice %arg2[%mul3A_2, %dma_wait3A] : memref<4096x1024xf32, #tpu.memory_space<hbm>> -> memref<32x1024xf32, #tpu.memory_space<hbm>>
    %dma_wait3A_465 = arith.constant 0 : i32
    %dma_wait3A_466 = tpu.memref_slice %arg2[%mul3A_2, %dma_wait3A_465] : memref<4096x1024xf32, #tpu.memory_space<hbm>> -> memref<32x1024xf32, #tpu.memory_space<hbm>>
    tpu.wait_dma2 semaphore(%arg13 : memref<!tpu.dma_semaphore, #tpu.memory_space<semaphore_mem>>) src(%dma_wait3A_466 : memref<32x1024xf32, #tpu.memory_space<hbm>>) dst(%arg11 : memref<32x1024xf32, #tpu.memory_space<vmem>>)
    %dma_start3A_467 = arith.constant 0 : i32
    %dma_start3A_468 = arith.constant 0 : i32
    %dma_start3A_469 = tpu.memref_slice %arg10[%dma_start3A_467, %dma_start3A_468] : memref<4x32xi32, #tpu.memory_space<vmem>> -> memref<1x32xi32, #tpu.memory_space<vmem>>
    %dma_start3A_470 = tpu.memref_squeeze %dma_start3A_469 : memref<1x32xi32, #tpu.memory_space<vmem>> -> memref<32xi32, #tpu.memory_space<vmem>>
    %dma_start3A_471 = arith.constant 0 : i32
    %dma_start3A_472 = arith.constant 0 : i32
    %dma_start3A_473 = tpu.memref_slice %arg6[%dma_start3A_471, %dma_start3A_472] : memref<6144x1024xf32, #tpu.memory_space<hbm>> -> memref<6144x1024xf32, #tpu.memory_space<hbm>>
    tpu.enqueue_indirect_dma source(%arg11 : memref<32x1024xf32, #tpu.memory_space<vmem>>) target(%dma_start3A_473 : memref<6144x1024xf32, #tpu.memory_space<hbm>>) offsets(%dma_start3A_470 : memref<32xi32, #tpu.memory_space<vmem>>) semaphore(%arg15 : memref<!tpu.dma_semaphore, #tpu.memory_space<semaphore_mem>>)
    %dma_wait3A_474 = arith.constant 0 : i32
    %dma_wait3A_475 = arith.constant 0 : i32
    %dma_wait3A_476 = tpu.memref_slice %arg10[%dma_wait3A_474, %dma_wait3A_475] : memref<4x32xi32, #tpu.memory_space<vmem>> -> memref<1x32xi32, #tpu.memory_space<vmem>>
    %dma_wait3A_477 = tpu.memref_squeeze %dma_wait3A_476 : memref<1x32xi32, #tpu.memory_space<vmem>> -> memref<32xi32, #tpu.memory_space<vmem>>
    %dma_wait3A_478 = arith.constant 0 : i32
    %dma_wait3A_479 = arith.constant 0 : i32
    %dma_wait3A_480 = tpu.memref_slice %arg6[%dma_wait3A_478, %dma_wait3A_479] : memref<6144x1024xf32, #tpu.memory_space<hbm>> -> memref<6144x1024xf32, #tpu.memory_space<hbm>>
    tpu.wait_indirect_dma semaphore(%arg15 : memref<!tpu.dma_semaphore, #tpu.memory_space<semaphore_mem>>) src(%arg11 : memref<32x1024xf32, #tpu.memory_space<vmem>>) dst(%dma_wait3A_480 : memref<6144x1024xf32, #tpu.memory_space<hbm>>)
    %add3A_481 = arith.constant 64 : i32
    %add3A_482 = arith.addi %mul3A_2, %add3A_481 : i32
    %dma_start3A_483 = arith.constant 0 : i32
    %dma_start3A_484 = tpu.memref_slice %arg2[%add3A_482, %dma_start3A_483] : memref<4096x1024xf32, #tpu.memory_space<hbm>> -> memref<32x1024xf32, #tpu.memory_space<hbm>>
    %dma_start3A_485 = arith.constant 0 : i32
    %dma_start3A_486 = tpu.memref_slice %arg2[%add3A_482, %dma_start3A_485] : memref<4096x1024xf32, #tpu.memory_space<hbm>> -> memref<32x1024xf32, #tpu.memory_space<hbm>>
    tpu.enqueue_dma source(%dma_start3A_486 : memref<32x1024xf32, #tpu.memory_space<hbm>>) target(%arg11 : memref<32x1024xf32, #tpu.memory_space<vmem>>) target_semaphore(%arg13 : memref<!tpu.dma_semaphore, #tpu.memory_space<semaphore_mem>>)
    %dma_wait3A_487 = arith.constant 0 : i32
    %dma_wait3A_488 = tpu.memref_slice %arg2[%add3A_7, %dma_wait3A_487] : memref<4096x1024xf32, #tpu.memory_space<hbm>> -> memref<32x1024xf32, #tpu.memory_space<hbm>>
    %dma_wait3A_489 = arith.constant 0 : i32
    %dma_wait3A_490 = tpu.memref_slice %arg2[%add3A_7, %dma_wait3A_489] : memref<4096x1024xf32, #tpu.memory_space<hbm>> -> memref<32x1024xf32, #tpu.memory_space<hbm>>
    tpu.wait_dma2 semaphore(%arg14 : memref<!tpu.dma_semaphore, #tpu.memory_space<semaphore_mem>>) src(%dma_wait3A_490 : memref<32x1024xf32, #tpu.memory_space<hbm>>) dst(%arg12 : memref<32x1024xf32, #tpu.memory_space<vmem>>)
    %dma_start3A_491 = arith.constant 1 : i32
    %dma_start3A_492 = arith.constant 0 : i32
    %dma_start3A_493 = tpu.memref_slice %arg10[%dma_start3A_491, %dma_start3A_492] : memref<4x32xi32, #tpu.memory_space<vmem>> -> memref<1x32xi32, #tpu.memory_space<vmem>>
    %dma_start3A_494 = tpu.memref_squeeze %dma_start3A_493 : memref<1x32xi32, #tpu.memory_space<vmem>> -> memref<32xi32, #tpu.memory_space<vmem>>
    %dma_start3A_495 = arith.constant 0 : i32
    %dma_start3A_496 = arith.constant 0 : i32
    %dma_start3A_497 = tpu.memref_slice %arg6[%dma_start3A_495, %dma_start3A_496] : memref<6144x1024xf32, #tpu.memory_space<hbm>> -> memref<6144x1024xf32, #tpu.memory_space<hbm>>
    tpu.enqueue_indirect_dma source(%arg12 : memref<32x1024xf32, #tpu.memory_space<vmem>>) target(%dma_start3A_497 : memref<6144x1024xf32, #tpu.memory_space<hbm>>) offsets(%dma_start3A_494 : memref<32xi32, #tpu.memory_space<vmem>>) semaphore(%arg16 : memref<!tpu.dma_semaphore, #tpu.memory_space<semaphore_mem>>)
    %dma_wait3A_498 = arith.constant 1 : i32
    %dma_wait3A_499 = arith.constant 0 : i32
    %dma_wait3A_500 = tpu.memref_slice %arg10[%dma_wait3A_498, %dma_wait3A_499] : memref<4x32xi32, #tpu.memory_space<vmem>> -> memref<1x32xi32, #tpu.memory_space<vmem>>
    %dma_wait3A_501 = tpu.memref_squeeze %dma_wait3A_500 : memref<1x32xi32, #tpu.memory_space<vmem>> -> memref<32xi32, #tpu.memory_space<vmem>>
    %dma_wait3A_502 = arith.constant 0 : i32
    %dma_wait3A_503 = arith.constant 0 : i32
    %dma_wait3A_504 = tpu.memref_slice %arg6[%dma_wait3A_502, %dma_wait3A_503] : memref<6144x1024xf32, #tpu.memory_space<hbm>> -> memref<6144x1024xf32, #tpu.memory_space<hbm>>
    tpu.wait_indirect_dma semaphore(%arg16 : memref<!tpu.dma_semaphore, #tpu.memory_space<semaphore_mem>>) src(%arg12 : memref<32x1024xf32, #tpu.memory_space<vmem>>) dst(%dma_wait3A_504 : memref<6144x1024xf32, #tpu.memory_space<hbm>>)
    %add3A_505 = arith.constant 96 : i32
    %add3A_506 = arith.addi %mul3A_2, %add3A_505 : i32
    %dma_start3A_507 = arith.constant 0 : i32
    %dma_start3A_508 = tpu.memref_slice %arg2[%add3A_506, %dma_start3A_507] : memref<4096x1024xf32, #tpu.memory_space<hbm>> -> memref<32x1024xf32, #tpu.memory_space<hbm>>
    %dma_start3A_509 = arith.constant 0 : i32
    %dma_start3A_510 = tpu.memref_slice %arg2[%add3A_506, %dma_start3A_509] : memref<4096x1024xf32, #tpu.memory_space<hbm>> -> memref<32x1024xf32, #tpu.memory_space<hbm>>
    tpu.enqueue_dma source(%dma_start3A_510 : memref<32x1024xf32, #tpu.memory_space<hbm>>) target(%arg12 : memref<32x1024xf32, #tpu.memory_space<vmem>>) target_semaphore(%arg14 : memref<!tpu.dma_semaphore, #tpu.memory_space<semaphore_mem>>)
    %dma_wait3A_511 = arith.constant 0 : i32
    %dma_wait3A_512 = tpu.memref_slice %arg2[%add3A_482, %dma_wait3A_511] : memref<4096x1024xf32, #tpu.memory_space<hbm>> -> memref<32x1024xf32, #tpu.memory_space<hbm>>
    %dma_wait3A_513 = arith.constant 0 : i32
    %dma_wait3A_514 = tpu.memref_slice %arg2[%add3A_482, %dma_wait3A_513] : memref<4096x1024xf32, #tpu.memory_space<hbm>> -> memref<32x1024xf32, #tpu.memory_space<hbm>>
    tpu.wait_dma2 semaphore(%arg13 : memref<!tpu.dma_semaphore, #tpu.memory_space<semaphore_mem>>) src(%dma_wait3A_514 : memref<32x1024xf32, #tpu.memory_space<hbm>>) dst(%arg11 : memref<32x1024xf32, #tpu.memory_space<vmem>>)
    %dma_start3A_515 = arith.constant 2 : i32
    %dma_start3A_516 = arith.constant 0 : i32
    %dma_start3A_517 = tpu.memref_slice %arg10[%dma_start3A_515, %dma_start3A_516] : memref<4x32xi32, #tpu.memory_space<vmem>> -> memref<1x32xi32, #tpu.memory_space<vmem>>
    %dma_start3A_518 = tpu.memref_squeeze %dma_start3A_517 : memref<1x32xi32, #tpu.memory_space<vmem>> -> memref<32xi32, #tpu.memory_space<vmem>>
    %dma_start3A_519 = arith.constant 0 : i32
    %dma_start3A_520 = arith.constant 0 : i32
    %dma_start3A_521 = tpu.memref_slice %arg6[%dma_start3A_519, %dma_start3A_520] : memref<6144x1024xf32, #tpu.memory_space<hbm>> -> memref<6144x1024xf32, #tpu.memory_space<hbm>>
    tpu.enqueue_indirect_dma source(%arg11 : memref<32x1024xf32, #tpu.memory_space<vmem>>) target(%dma_start3A_521 : memref<6144x1024xf32, #tpu.memory_space<hbm>>) offsets(%dma_start3A_518 : memref<32xi32, #tpu.memory_space<vmem>>) semaphore(%arg15 : memref<!tpu.dma_semaphore, #tpu.memory_space<semaphore_mem>>)
    %dma_wait3A_522 = arith.constant 2 : i32
    %dma_wait3A_523 = arith.constant 0 : i32
    %dma_wait3A_524 = tpu.memref_slice %arg10[%dma_wait3A_522, %dma_wait3A_523] : memref<4x32xi32, #tpu.memory_space<vmem>> -> memref<1x32xi32, #tpu.memory_space<vmem>>
    %dma_wait3A_525 = tpu.memref_squeeze %dma_wait3A_524 : memref<1x32xi32, #tpu.memory_space<vmem>> -> memref<32xi32, #tpu.memory_space<vmem>>
    %dma_wait3A_526 = arith.constant 0 : i32
    %dma_wait3A_527 = arith.constant 0 : i32
    %dma_wait3A_528 = tpu.memref_slice %arg6[%dma_wait3A_526, %dma_wait3A_527] : memref<6144x1024xf32, #tpu.memory_space<hbm>> -> memref<6144x1024xf32, #tpu.memory_space<hbm>>
    tpu.wait_indirect_dma semaphore(%arg15 : memref<!tpu.dma_semaphore, #tpu.memory_space<semaphore_mem>>) src(%arg11 : memref<32x1024xf32, #tpu.memory_space<vmem>>) dst(%dma_wait3A_528 : memref<6144x1024xf32, #tpu.memory_space<hbm>>)
    %dma_wait3A_529 = arith.constant 0 : i32
    %dma_wait3A_530 = tpu.memref_slice %arg2[%add3A_506, %dma_wait3A_529] : memref<4096x1024xf32, #tpu.memory_space<hbm>> -> memref<32x1024xf32, #tpu.memory_space<hbm>>
    %dma_wait3A_531 = arith.constant 0 : i32
    %dma_wait3A_532 = tpu.memref_slice %arg2[%add3A_506, %dma_wait3A_531] : memref<4096x1024xf32, #tpu.memory_space<hbm>> -> memref<32x1024xf32, #tpu.memory_space<hbm>>
    tpu.wait_dma2 semaphore(%arg14 : memref<!tpu.dma_semaphore, #tpu.memory_space<semaphore_mem>>) src(%dma_wait3A_532 : memref<32x1024xf32, #tpu.memory_space<hbm>>) dst(%arg12 : memref<32x1024xf32, #tpu.memory_space<vmem>>)
    %dma_start3A_533 = arith.constant 3 : i32
    %dma_start3A_534 = arith.constant 0 : i32
    %dma_start3A_535 = tpu.memref_slice %arg10[%dma_start3A_533, %dma_start3A_534] : memref<4x32xi32, #tpu.memory_space<vmem>> -> memref<1x32xi32, #tpu.memory_space<vmem>>
    %dma_start3A_536 = tpu.memref_squeeze %dma_start3A_535 : memref<1x32xi32, #tpu.memory_space<vmem>> -> memref<32xi32, #tpu.memory_space<vmem>>
    %dma_start3A_537 = arith.constant 0 : i32
    %dma_start3A_538 = arith.constant 0 : i32
    %dma_start3A_539 = tpu.memref_slice %arg6[%dma_start3A_537, %dma_start3A_538] : memref<6144x1024xf32, #tpu.memory_space<hbm>> -> memref<6144x1024xf32, #tpu.memory_space<hbm>>
    tpu.enqueue_indirect_dma source(%arg12 : memref<32x1024xf32, #tpu.memory_space<vmem>>) target(%dma_start3A_539 : memref<6144x1024xf32, #tpu.memory_space<hbm>>) offsets(%dma_start3A_536 : memref<32xi32, #tpu.memory_space<vmem>>) semaphore(%arg16 : memref<!tpu.dma_semaphore, #tpu.memory_space<semaphore_mem>>)
    %dma_wait3A_540 = arith.constant 3 : i32
    %dma_wait3A_541 = arith.constant 0 : i32
    %dma_wait3A_542 = tpu.memref_slice %arg10[%dma_wait3A_540, %dma_wait3A_541] : memref<4x32xi32, #tpu.memory_space<vmem>> -> memref<1x32xi32, #tpu.memory_space<vmem>>
    %dma_wait3A_543 = tpu.memref_squeeze %dma_wait3A_542 : memref<1x32xi32, #tpu.memory_space<vmem>> -> memref<32xi32, #tpu.memory_space<vmem>>
    %dma_wait3A_544 = arith.constant 0 : i32
    %dma_wait3A_545 = arith.constant 0 : i32
    %dma_wait3A_546 = tpu.memref_slice %arg6[%dma_wait3A_544, %dma_wait3A_545] : memref<6144x1024xf32, #tpu.memory_space<hbm>> -> memref<6144x1024xf32, #tpu.memory_space<hbm>>
    tpu.wait_indirect_dma semaphore(%arg16 : memref<!tpu.dma_semaphore, #tpu.memory_space<semaphore_mem>>) src(%arg12 : memref<32x1024xf32, #tpu.memory_space<vmem>>) dst(%dma_wait3A_546 : memref<6144x1024xf32, #tpu.memory_space<hbm>>)
    return
  }
}

</mosaic_0001>

<sc_bundles>
// kernel: kernel.4.cloned.1.call-start
scs
__scs_entry_jumppad:
0x0: {  	(pc) =	sbr.rel $0x88, $3  }
0x1: {  	(tag) =	ssettag $0x0;
	lr =	simm.s32 $0x1  }
0x2: {  	[smem:$0x3F9F] =	sst lr;
	_ =	strace $0xD0000000  }
0x3: {  	_ = 	snop  }
0x4: {  	_ = 	snop  }
0x5: {  	_ = 	snop  }
0x6: {  	_ = 	snop  }
0x7: {  	_ = 	snop  }
__scs_overlays_trampoline_lowered:
0x8: {  	[smem:$0x3FAE] =	sst s0  }
0x9: {  	[smem:$0x3FAF] =	sst s1  }
0xa: {  	[smem:$0x3FB0] =	sst s2  }
0xb: {  	[smem:$0x3FB1] =	sst s3  }
0xc: {  	[smem:$0x3FB2] =	sst s4  }
0xd: {  	[smem:$0x3FB3] =	sst s5  }
0xe: {  	[smem:$0x3FB4] =	sst s6  }
0xf: {  	[smem:$0x3FB5] =	sst s7  }
0x10: {  	[smem:$0x3FB6] =	sst s8  }
0x11: {  	[smem:$0x3FB7] =	sst s9;
	s0 =	simm.s32 @!p0 $0x0  }
0x12: {  	s1 =	sld [smem:$0x3F9D];
	s0 =	simm.s32 @p0 $0x1  }
0x13: {  	[smem:$0x3FB8] =	sst s0;
	s0 =	simm.s32 @!p1 $0x0  }
0x14: {  	s2 =	sld [smem:$0x3F9C];
	s0 =	simm.s32 @p1 $0x1  }
0x15: {  	[smem:$0x3FB9] =	sst s0;
	s0 =	simm.s32 @!p2 $0x0  }
0x16: {  	s3 =	sld [smem:$0x3FDB];
	s0 =	simm.s32 @p2 $0x1  }
0x17: {  	s4 =	simm.s32 $0x1BF5;
	[smem:$0x3FBB] =	sst s0  }
0x18: {  	s0 =	sld [smem:$0x3F9E];
	_ =	swait.ge [sflag:s4], $0x0  }
0x19: {  	s7 =	sld [smem:$0x3F9F]  }
0x1a: {  	s8 =	sadd.s32 $0xFFFFE003, lr  }
0x1b: {  	s9 =	sadd.s32 $0xFFFFFEF7, lr;
	s5 =	simm.s32 $0xFFFFFFFF;
	p2 =	slt.u32 s8, $0xFFFFF086  }
0x1c: {  	p1 =	slt.u32 s9, $0xF7A;
	s5 =	simm.s32 @!p2 $0x0  }
0x1d: {  	s5 =	simm.s32 @p1 $0x1;
	p0 =	seq.s32 s7, s2  }
0x1e: {  	s7 =	smul.u32 @!p0 $0xF7A, s2;
	p2 =	seq.s32 @!p0 s5, $0x0  }
0x1f: {  	s9 =	smul.u32 $0xF7A, s1;
	s8 =	simm.s32 @!p0 $0x1BF5;
	p2 =	por !p2, p0  }
0x20: {  	[sflag:s8] =	ssyncset.s32 @!p0 $0xFFFFF086;
	s6 =	sadd.s32 @!p0 s3, s7;
	s7 =	simm.s32 @!p0 $0x108  }
0x21: {  	s3 =	sadd.s32 s3, s9;
	s6 =	sadd.s32 @!p0 $0x88, s6;
	s7 =	simm.s32 @p2 $0x1082  }
0x22: {  	[simem:s7], [sflag:s8] =	dma.local @!p0 [hbm:s6], $0xF7A  }
0x23: {  	s9 =	sor.u32 $0xD0000000, s2;
	s6 =	simm.s32 $0x108;
	_ =	swait.ge @!p0 [sflag:s8], $0x0  }
0x24: {  	s3 =	sadd.s32 $0x88, s3;
	s6 =	simm.s32 @!p1 $0x1082;
	[sflag:s4] =	ssyncset.s32 $0xFFFFF086  }
0x25: {  	[simem:s6], [sflag:s4] =	dma.local [hbm:s3], $0xF7A  }
0x26: {  	[smem:$0x3F9F] =	sst s1;
	(tag) =	ssettag s2;
	_ =	strace s9  }
0x27: {  	s1 =	sld [smem:$0x3FAF]  }
0x28: {  	s2 =	sld [smem:$0x3FB0]  }
0x29: {  	s4 =	sld [smem:$0x3FB2]  }
0x2a: {  	p0 =	seq.s32 s5, $0x0;
	s5 =	sld [smem:$0x3FB3]  }
0x2b: {  	s6 =	sld [smem:$0x3FB4]  }
0x2c: {  	s7 =	sld [smem:$0x3FB5]  }
0x2d: {  	s3 =	simm.s32 $0x108;
	s8 =	sld [smem:$0x3FB6]  }
0x2e: {  	s3 =	simm.s32 @!p0 $0x1082;
	s9 =	sld [smem:$0x3FB7]  }
0x2f: {  	lr =	sadd.s32 s0, s3;
	s0 =	sld [smem:$0x3FAE]  }
0x30: {  	s3 =	sld [smem:$0x3FB1]  }
0x31: {  	[smem:$0x3FBA] =	sst s10  }
0x32: {  	s10 =	sld [smem:$0x3FB8];
	_ =	sdelay $0x3  }
0x33: {  	p0 =	seq.s32 s10, $0x1;
	s10 =	sld [smem:$0x3FBA];
	_ =	sdelay $0x3  }
0x34: {  	[smem:$0x3FBA] =	sst s10  }
0x35: {  	s10 =	sld [smem:$0x3FB9];
	_ =	sdelay $0x3  }
0x36: {  	p1 =	seq.s32 s10, $0x1;
	s10 =	sld [smem:$0x3FBA];
	_ =	sdelay $0x3  }
0x37: {  	[smem:$0x3FBA] =	sst s10  }
0x38: {  	s10 =	sld [smem:$0x3FBB]  }
0x39: {  	_ = 	snop;
	(pc) =	sbr.ind lr, $3  }
0x3a: {  	_ = 	snop  }
0x3b: {  	_ = 	snop  }
0x3c: {  	p2 =	seq.s32 s10, $0x1;
	s10 =	sld [smem:$0x3FBA]  }
0x3d: {  	_ =	shalt  }
0x3e: {  	_ =	shalt  }
0x3f: {  	_ =	shalt  }
0x40: {  	_ =	shalt  }
0x41: {  	_ =	shalt  }
0x42: {  	_ =	shalt  }
0x43: {  	_ =	shalt  }
0x44: {  	_ =	shalt  }
0x45: {  	_ =	shalt  }
0x46: {  	_ =	shalt  }
0x47: {  	_ =	shalt  }
0x48: {  	_ =	shalt  }
0x49: {  	_ =	shalt  }
0x4a: {  	_ =	shalt  }
0x4b: {  	_ =	shalt  }
0x4c: {  	_ =	shalt  }
0x4d: {  	_ =	shalt  }
0x4e: {  	_ =	shalt  }
0x4f: {  	_ =	shalt  }
0x50: {  	_ =	shalt  }
0x51: {  	_ =	shalt  }
0x52: {  	_ =	shalt  }
0x53: {  	_ =	shalt  }
0x54: {  	_ =	shalt  }
0x55: {  	_ =	shalt  }
0x56: {  	_ =	shalt  }
0x57: {  	_ =	shalt  }
0x58: {  	_ =	shalt  }
0x59: {  	_ =	shalt  }
0x5a: {  	_ =	shalt  }
0x5b: {  	_ =	shalt  }
0x5c: {  	_ =	shalt  }
0x5d: {  	_ =	shalt  }
0x5e: {  	_ =	shalt  }
0x5f: {  	_ =	shalt  }
0x60: {  	_ =	shalt  }
0x61: {  	_ =	shalt  }
0x62: {  	_ =	shalt  }
0x63: {  	_ =	shalt  }
0x64: {  	_ =	shalt  }
0x65: {  	_ =	shalt  }
0x66: {  	_ =	shalt  }
0x67: {  	_ =	shalt  }
0x68: {  	_ =	shalt  }
0x69: {  	_ =	shalt  }
0x6a: {  	_ =	shalt  }
0x6b: {  	_ =	shalt  }
0x6c: {  	_ =	shalt  }
0x6d: {  	_ =	shalt  }
0x6e: {  	_ =	shalt  }
0x6f: {  	_ =	shalt  }
0x70: {  	_ =	shalt  }
0x71: {  	_ =	shalt  }
0x72: {  	_ =	shalt  }
0x73: {  	_ =	shalt  }
0x74: {  	_ =	shalt  }
0x75: {  	_ =	shalt  }
0x76: {  	_ =	shalt  }
0x77: {  	_ =	shalt  }
0x78: {  	_ =	shalt  }
0x79: {  	_ =	shalt  }
0x7a: {  	_ =	shalt  }
0x7b: {  	_ =	shalt  }
0x7c: {  	_ =	shalt  }
0x7d: {  	_ =	shalt  }
0x7e: {  	_ =	shalt  }
0x7f: {  	_ =	shalt  }
0x80: {  	_ =	shalt  }
0x81: {  	_ =	shalt  }
0x82: {  	_ =	shalt  }
0x83: {  	_ =	shalt  }
0x84: {  	_ =	shalt  }
0x85: {  	_ =	shalt  }
0x86: {  	_ =	shalt  }
0x87: {  	_ =	shalt  }
.Lfunc_end0:
.L_simem_size_0:
called_computation_lowered:
.L_overlay_start_0:
0x88: {  	s2 =	sld [smem:$0x3FD9]  }
0x89: {  	s3 =	sld [smem:$0x3FFE];
	_ =	sdelay $0x1  }
0x8a: {  	s1 =	srdreg.scid  }
0x8b: {  	s0 =	sand.u32 $0x1, s1  }
0x8c: {  	s14 =	sshll.u32 s0, $0xA;
	s2 =	sadd.s32 s3, s2  }
0x8d: {  	s2 =	sadd.s32 s2, s14  }
0x8e: {  	[smem:$0x3FC6] =	sst s2  }
0x8f: {  	_ = 	snop  }
0x90: {  	s2 =	sld [smem:$0x3FD0];
	_ =	sdelay $0x2  }
0x91: {  	s4 =	simm.s32 $0xA;
	s5 =	simm.s32 $0x10;
	s15 =	sld [smem:$0x3FC9]  }
0x92: {  	[smem:s5], [sflag:s4] =	dma.local [hbm:s2], $0x1  }
0x93: {  	_ =	swait.eq [sflag:s4], $0x1  }
0x94: {  	[sflag:s4] =	ssyncset.done $0x0  }
0x95: {  	[sflag:s4] =	ssyncadd.s32 $0xFFFFFFFF  }
0x96: {  	s16 =	sld [smem:$0x11];
	(tm) =	ssettm $0x1  }
0x97: {  	s17 =	sld [smem:$0x3FFB];
	_ =	sdelay $0x3  }
0x98: {  	_ =	strace s17  }
0x99: {  	s4 =	sld [smem:$0x3FFC];
	_ =	sdelay $0x3  }
0x9a: {  	_ =	strace s4  }
0x9b: {  	s4 =	sld [smem:$0x3FFD];
	_ =	sdelay $0x3  }
0x9c: {  	_ =	strace s4  }
0x9d: {  	_ =	strace $0x8FFFFFFF  }
0x9e: {  	s18 =	sld [smem:$0x3FDB];
	_ =	sdelay $0x1  }
0x9f: {  	s19 =	simm.s32 $_scs_section_size  }
0xa0: {  	s6 =	simm.s32 $_size__tile_overlayer_lowered;
	s7 =	simm.s32 $_tile_overlayer_lowered  }
0xa1: {  	s22 =	simm.s32 $0x1BFF;
	s21 =	sshll.u32 s7, $0x1;
	s4 =	sadd.s32 s19, s18  }
0xa2: {  	s8 =	simm.s32 $0x0;
	s20 =	sshll.u32 s6, $0x1;
	s6 =	sadd.s32 s21, s4  }
0xa3: {  	[timem:s8], [sflag:s22] =	dma.local [hbm:s6], s20  }
0xa4: {  	_ =	swait.ge [sflag:s22], s20  }
0xa5: {  	s5 =	ssub.s32 $0x0, s20;
	[sflag:s22] =	ssyncset.done $0x0  }
0xa6: {  	[sflag:s22] =	ssyncadd.s32 s5;
	_ =	sdelay $0x1  }
0xa7: {  	s23 =	simm.s32 $0x1B8B  }
0xa8: {  	_ =	swait.ge [sflag:s23], $0x1  }
0xa9: {  	[sflag:s23] =	ssyncset.done $0x0  }
0xaa: {  	s25 =	simm.s32 $0x1B8E;
	s24 =	sld [smem:$0x3FFE];
	[sflag:s23] =	ssyncadd.s32 $0xFFFFFFFF  }
0xab: {  	s26 =	simm.s32 $execute0_lowered;
	[smem:$0x3FD2] =	sst s25  }
0xac: {  	s6 =	sshll.u32 s26, $0x1;
	_ =	strace $0x80000046;
	[dreg:$0x1] =	wrdreg $0xFFFFFFFF  }
0xad: {  	s28 =	simm.s32 $_size_execute0_lowered;
	s4 =	sadd.s32 s4, s6;
	[dreg:$0x0] =	wrdreg $0x0  }
0xae: {  	s6 =	sshll.u32 s28, $0x1;
	[dreg:$0x2] =	wrdreg s4  }
0xaf: {  	[dreg:$0x3] =	wrdreg s6  }
0xb0: {  	[dreg:$0x4] =	wrdreg $0xC0  }
0xb1: {  	_ =	task [dreg:s8], $0x5FFFF  }
0xb2: {  	[dreg:$0x1] =	wrdreg $0xFFFFFFFF  }
0xb3: {  	[dreg:$0x0] =	wrdreg $0x60  }
0xb4: {  	[dreg:$0x2] =	wrdreg s15  }
0xb5: {  	[dreg:$0x3] =	wrdreg s16  }
0xb6: {  	[dreg:$0x4] =	wrdreg s24  }
0xb7: {  	[dreg:$0x5] =	wrdreg $0x9  }
0xb8: {  	_ =	task.clear_ibuf [dreg:s8], $0x6FFFF;
	_ =	strace $0x90000046  }
0xb9: {  	s29 =	simm.s32 $0x9;
	_ =	strace $0x80000048  }
0xba: {  	_ =	swait.ge [sflag:s29], $0x1  }
0xbb: {  	[sflag:s29] =	ssyncadd.s32 $0xFFFFFFFF  }
0xbc: {  	_ =	strace $0x90000048  }
0xbd: {  	_ =	sfence  }
0xbe: {  	s30 =	sld [smem:$0x0];
	_ =	sdelay $0x2  }
0xbf: {  	s31 =	sshll.u32 s1, $0xD;
	s1 =	sshrl.u32 s1, $0x2  }
0xc0: {  	s3 =	sand.u32 $0x4000, s31;
	s1 =	sadd.s32 s1, s30  }
0xc1: {  	s0 =	sor.u32 s3, s0;
	s1 =	sshll.u32 s1, $0x11  }
0xc2: {  	s0 =	sor.u32 s1, s0  }
0xc3: {  	s0 =	sadd.s32 $0x8F2B, s0  }
0xc4: {  	[sflag:s0] =	ssyncadd.remote.s32 $0x1  }
0xc5: {  	_ =	sfence.sel $0xFFFF  }
0xc6: {  	[dreg:$0x0] =	wrdreg $0xFFFFFFFF;
	(pc) =	sbr.abs _section_cstart, $3  }
0xc7: {  	[dreg:$0x1] =	wrdreg $0xFFFFFFFF  }
0xc8: {  	_ =	task.clear_ibuf [dreg:s8], $0x2FFFF;
	_ =	strace $0x9FFFFFFF  }
0xc9: {  	(tm) =	ssettm $0x7FFFFFFF  }
tec
execute0_lowered:
.L_overlay_start_1:
0x0: {  	(tag) =	ssettag $0x1  }
0x1: {  	s0 =	rddreg [dreg:$0x0]  }
0x2: {  	s1 =	rddreg [dreg:$0x1]  }
0x3: {  	s7 =	rddreg [dreg:$0x2]  }
0x4: {  	s2 =	srdreg.scid;
	s3 =	stileid.u32;
	s26 =	simm.s32 $0x80  }
0x5: {  	s28 =	simm.s32 $0x100;
	s29 =	simm.s32 $0x1;
	s31 =	simm.s32 $0x1F00  }
0x6: {  	s30 =	simm.s32 $0x3;
	s9 =	simm.s32 $0x9F00;
	s12 =	simm.s32 $0xA700  }
0x7: {  	s11 =	simm.s32 $0xAF00;
	s10 =	simm.s32 $0xB700;
	s13 =	simm.s32 $0xD700  }
0x8: {  	s14 =	simm.s32 $0xDF00;
	s15 =	simm.s32 $0xE700;
	s16 =	simm.s32 $0xEF00  }
0x9: {  	s17 =	simm.s32 $0xF700;
	s5 =	sand.u32 $0x1, s2;
	s2 =	simm.s32 $0x0  }
0xa: {  	s18 =	simm.s32 $0xFF00;
	s19 =	sadd.s32 $0x200, s7;
	[smem:$0x7FF] =	sst s2  }
0xb: {  	s3 =	sshll.u32 s3, $0x8;
	_ =	strace $0x80000047;
	[dreg:$0x4] =	wrdreg s19  }
0xc: {  	s4 =	sshll.u32 s5, $0x7;
	s5 =	ssub.s32 $0x2, s5;
	[dreg:$0xa] =	wrdreg s26  }
0xd: {  	s6 =	sor.u32 s4, s3;
	s22 =	sshrl.u32 s5, $0x1;
	[dreg:$0xb] =	wrdreg s28  }
0xe: {  	s19 =	simm.s32 $0xBF00;
	s4 =	sshll.u32 s6, $0x7;
	s6 =	sshrl.u32 s6, $0x3  }
0xf: {  	s20 =	sadd.s32 s0, s4;
	s4 =	sadd.s32 $0x400, s7;
	s21 =	sadd.s32 s1, s6  }
0x10: {  	s23 =	sadd.s32 s7, s6;
	s1 =	ssub.s32 s5, s22;
	s5 =	sadd.s32 $0x500, s7  }
0x11: {  	s6 =	sadd.s32 $0x600, s7;
	s7 =	sadd.s32 $0x700, s7;
	[dreg:$0x6] =	wrdreg s21  }
0x12: {  	s22 =	simm.s32 $0x7F00;
	s0 =	sadd.s32 $0x1000, s20;
	[dreg:$0x7] =	wrdreg s23  }
0x13: {  	s24 =	sadd.s32 $0x2000, s20;
	[dreg:$0xc] =	wrdreg s20;
	s25 =	sadd.s32 $0x3000, s20  }
0x14: {  	v2 =	vlaneseq.u32;
	s8 =	smax.u32 s1, $0x1;
	s21 =	simm.s32 $0x7700;
	[dreg:$0x5] =	wrdreg s0  }
0x15: {  	vm0 =	vmmov $0xffff;
	v1 =	vshrl.u32 v2, $0x3;
	s23 =	simm.s32 $0x8F00;
	s20 =	simm.s32 $0xC700;
	[dreg:$0x8] =	wrdreg s24  }
0x16: {  	v0 =	vand.u32 $0x7, v2;
	v2 =	vor.u32 $0x8, v2;
	v1 =	vmul.u32 $0x8, v1;
	[dreg:$0x9] =	wrdreg s25;
	s25 =	simm.s32 $0x2;
	s24 =	simm.s32 $0x9700  }
.LBB2_1:
0x17: {  	s3 =	rddreg [dreg:$0xc];
	s0 =	simm.s32 $0x700  }
0x18: {  	[tilespmem:s0], [sflag:$0x1] =	stream.linear.gather [hbm4b:s3+s2], $0x8000, $0x38;
	[tilespmem:$0x10700] =	vst v63  }
0x19: {  	s26 =	rddreg [dreg:$0x5];
	s1 =	simm.s32 $0x8700  }
0x1a: {  	[tilespmem:s1], [sflag:$0x2] =	stream.linear.gather [hbm4b:s26+s2], $0x8000, $0x38;
	[tilespmem:$0x10700] =	vst v63  }
0x1b: {  	s28 =	rddreg [dreg:$0x6];
	s0 =	simm.s32 $0x5  }
0x1c: {  	[tilespmem:s2], [sflag:$0x5] =	stream.linear.gather [hbm4b:s28+s2], $0x80, $0x38;
	[tilespmem:$0x10700] =	vst v63  }
0x1d: {  	_ =	swait.ge [sflag:s0], $0x80  }
0x1e: {  	s3 =	rddreg [dreg:$0x7];
	[sflag:s0] =	ssyncset.done $0x0  }
0x1f: {  	s1 =	rddreg [dreg:$0xa];
	[sflag:s0] =	ssyncadd.s32 $0xFFFFFF80  }
0x20: {  	[tilespmem:s1], [sflag:$0x5] =	stream.linear.gather [hbm4b:s3+s2], $0x80, $0x38;
	[tilespmem:$0x10700] =	vst v63  }
0x21: {  	_ =	swait.ge [sflag:s0], $0x80  }
0x22: {  	s3 =	rddreg [dreg:$0x4];
	[sflag:s0] =	ssyncset.done $0x0  }
0x23: {  	s1 =	rddreg [dreg:$0xb];
	[sflag:s0] =	ssyncadd.s32 $0xFFFFFF80  }
0x24: {  	[tilespmem:s1], [sflag:$0x5] =	stream.linear.gather [hbm4b:s3+s2], $0x400, $0x38;
	[tilespmem:$0x10700] =	vst v63  }
0x25: {  	_ =	swait.ge [sflag:s0], $0x400  }
0x26: {  	[sflag:s0] =	ssyncset.done $0x0  }
0x27: {  	[sflag:s0] =	ssyncadd.s32 $0xFFFFFC00  }
0x28: {  	v7 =	vld [tilespmem:$0x100]  }
0x29: {  	v8 =	vld [tilespmem:$0x0]  }
0x2a: {  	v9 =	vld [tilespmem:$0x180]  }
0x2b: {  	v10 =	vld [tilespmem:$0x200]  }
0x2c: {  	v11 =	vld [tilespmem:$0x280]  }
0x2d: {  	v6 =	vld [tilespmem:$0x300]  }
0x2e: {  	v12 =	vld [tilespmem:$0x10];
	vm1 =	veq.s32 v8, $0x0  }
0x2f: {  	v4 =	vld [tilespmem:$0x380];
	v3 =	vnsel vm1, $0x0, v7;
	vm1 =	veq.s32 v8, $0x1  }
0x30: {  	v3 =	vsel vm1, v9, v3;
	vm1 =	veq.s32 v8, $0x2  }
0x31: {  	v5 =	vld [tilespmem:$0x400];
	v13 =	vsel vm1, v10, v3;
	vm1 =	veq.s32 v8, $0x3  }
0x32: {  	v3 =	vld [tilespmem:$0x480];
	v13 =	vsel vm1, v11, v13;
	vm1 =	veq.s32 v8, $0x4  }
0x33: {  	v21 =	vld [tilespmem:$0x80];
	vm2 =	veq.s32 v12, $0x0;
	v13 =	vsel vm1, v6, v13;
	vm1 =	veq.s32 v8, $0x5  }
0x34: {  	v14 =	vld [tilespmem:$0x20];
	v15 =	vnsel vm2, $0x0, v7;
	v13 =	vsel vm1, v4, v13;
	vm1 =	veq.s32 v12, $0x1  }
0x35: {  	vm2 =	veq.s32 v8, $0x6;
	v15 =	vsel vm1, v9, v15;
	vm1 =	veq.s32 v12, $0x2  }
0x36: {  	v13 =	vsel vm2, v5, v13;
	vm2 =	veq.s32 v8, $0x7;
	v15 =	vsel vm1, v10, v15  }
0x37: {  	vm1 =	veq.s32 v12, $0x3;
	v13 =	vsel vm2, v3, v13;
	vm2 =	veq.s32 v12, $0x5  }
0x38: {  	v32 =	vsel vm1, v11, v15;
	vm1 =	veq.s32 v12, $0x4;
	v13 =	vadd.s32 v21, v13  }
0x39: {  	v8 =	vsel vm1, v6, v32;
	vm1 =	veq.s32 v14, $0x0;
	v52 =	vshll.u32 v13, $0x3  }
0x3a: {  	v16 =	vld [tilespmem:$0x30];
	[tilespmem:$0x500] =	vst v13;
	v13 =	vand.u32 $0x7, v13;
	v33 =	vnsel vm1, $0x0, v7;
	vm1 =	veq.s32 v14, $0x1  }
0x3b: {  	v8 =	vsel vm2, v4, v8;
	v15 =	vsel vm1, v9, v33;
	vm1 =	veq.s32 v14, $0x2  }
0x3c: {  	vm2 =	veq.s32 v12, $0x6;
	v15 =	vsel vm1, v10, v15;
	vm1 =	veq.s32 v14, $0x3  }
0x3d: {  	v8 =	vsel vm2, v5, v8;
	v15 =	vsel vm1, v11, v15;
	vm1 =	veq.s32 v14, $0x4  }
0x3e: {  	vm2 =	veq.s32 v12, $0x7;
	v34 =	vsel vm1, v6, v15;
	vm1 =	veq.s32 v14, $0x5  }
0x3f: {  	v35 =	vld [tilespmem:$0x40];
	v8 =	vsel vm2, v3, v8;
	v12 =	vsel vm1, v4, v34;
	vm1 =	veq.s32 v16, $0x0  }
0x40: {  	vm2 =	veq.s32 v14, $0x6;
	v17 =	vnsel vm1, $0x0, v7;
	vm1 =	veq.s32 v16, $0x1  }
0x41: {  	v12 =	vsel vm2, v5, v12;
	v17 =	vsel vm1, v9, v17;
	vm1 =	veq.s32 v16, $0x2  }
0x42: {  	vm2 =	veq.s32 v14, $0x7;
	v36 =	vsel vm1, v10, v17;
	vm1 =	veq.s32 v16, $0x3  }
0x43: {  	v12 =	vsel vm2, v3, v12;
	v14 =	vsel vm1, v11, v36;
	vm1 =	veq.s32 v16, $0x4  }
0x44: {  	v37 =	vld [tilespmem:$0x50];
	vm2 =	veq.s32 v35, $0x0;
	v14 =	vsel vm1, v6, v14;
	vm1 =	veq.s32 v16, $0x5  }
0x45: {  	v18 =	vnsel vm2, $0x0, v7;
	v14 =	vsel vm1, v4, v14;
	vm1 =	veq.s32 v35, $0x1  }
0x46: {  	vm2 =	veq.s32 v16, $0x6;
	v18 =	vsel vm1, v9, v18;
	vm1 =	veq.s32 v35, $0x2  }
0x47: {  	v14 =	vsel vm2, v5, v14;
	v18 =	vsel vm1, v10, v18;
	vm1 =	veq.s32 v35, $0x3  }
0x48: {  	vm2 =	veq.s32 v16, $0x7;
	v38 =	vsel vm1, v11, v18;
	vm1 =	veq.s32 v35, $0x4  }
0x49: {  	v14 =	vsel vm2, v3, v14;
	v16 =	vsel vm1, v6, v38;
	vm1 =	veq.s32 v37, $0x0  }
0x4a: {  	v19 =	vld [tilespmem:$0x60];
	vm2 =	veq.s32 v35, $0x5;
	v39 =	vnsel vm1, $0x0, v7;
	vm1 =	veq.s32 v37, $0x1  }
0x4b: {  	v20 =	vld [tilespmem:$0x70];
	v16 =	vsel vm2, v4, v16;
	v18 =	vsel vm1, v9, v39;
	vm1 =	veq.s32 v37, $0x2  }
0x4c: {  	vm2 =	veq.s32 v35, $0x6;
	v18 =	vsel vm1, v10, v18;
	vm1 =	veq.s32 v37, $0x3  }
0x4d: {  	v22 =	vld [tilespmem:$0x90];
	v16 =	vsel vm2, v5, v16;
	v18 =	vsel vm1, v11, v18;
	vm1 =	veq.s32 v37, $0x4  }
0x4e: {  	vm2 =	veq.s32 v35, $0x7;
	v40 =	vsel vm1, v6, v18;
	vm1 =	veq.s32 v37, $0x5  }
0x4f: {  	v16 =	vsel vm2, v3, v16;
	v15 =	vsel vm1, v4, v40;
	vm1 =	veq.s32 v19, $0x0  }
0x50: {  	vm2 =	veq.s32 v20, $0x0;
	v41 =	vnsel vm1, $0x0, v7;
	vm1 =	veq.s32 v19, $0x1  }
0x51: {  	v7 =	vnsel vm2, $0x0, v7;
	v18 =	vsel vm1, v9, v41;
	vm1 =	veq.s32 v20, $0x1  }
0x52: {  	v45 =	vld [tilespmem:$0xC0];
	v8 =	vadd.s32 v22, v8;
	vm2 =	veq.s32 v19, $0x2;
	v7 =	vsel vm1, v9, v7  }
0x53: {  	v42 =	vld [tilespmem:$0xA0];
	vm1 =	veq.s32 v20, $0x2;
	v18 =	vsel vm2, v10, v18;
	vm2 =	veq.s32 v19, $0x3  }
0x54: {  	v43 =	vld [tilespmem:$0xB0];
	v7 =	vsel vm1, v10, v7;
	vm1 =	veq.s32 v37, $0x6;
	v18 =	vsel vm2, v11, v18  }
0x55: {  	v46 =	vld [tilespmem:$0xD0];
	vm2 =	veq.s32 v20, $0x3;
	v44 =	vsel vm1, v5, v15;
	vm1 =	veq.s32 v37, $0x7  }
0x56: {  	v7 =	vsel vm2, v11, v7;
	v11 =	vsel vm1, v3, v44;
	vm1 =	veq.s32 v19, $0x4  }
0x57: {  	v48 =	vadd.s32 v45, v16;
	v18 =	vsel vm1, v6, v18;
	vm1 =	veq.s32 v19, $0x5  }
0x58: {  	v9 =	vadd.s32 v42, v12;
	v47 =	vsel vm1, v4, v18;
	vm1 =	veq.s32 v19, $0x6  }
0x59: {  	v49 =	vld [tilespmem:$0xE0];
	v10 =	vadd.s32 v43, v14;
	v12 =	vsel vm1, v5, v47;
	vm1 =	veq.s32 v19, $0x7  }
0x5a: {  	v51 =	vld [tilespmem:$0xF0];
	[tilespmem:$0x510] =	vst v8;
	v50 =	vadd.s32 v46, v11;
	v12 =	vsel vm1, v3, v12;
	vm1 =	veq.s32 v20, $0x4  }
0x5b: {  	[tilespmem:$0x600] =	vst v48;
	v6 =	vsel vm1, v6, v7;
	vm1 =	veq.s32 v20, $0x5;
	v7 =	vand.u32 $0xFFFFFFC0, v52  }
0x5c: {  	[tilespmem:$0x580] =	vst v9;
	v4 =	vsel vm1, v4, v6;
	vm1 =	veq.s32 v20, $0x6;
	v53 =	vor.u32 v13, v7  }
0x5d: {  	[tilespmem:$0x590] =	vst v10;
	v4 =	vsel vm1, v5, v4;
	vm1 =	veq.s32 v20, $0x7;
	v54 =	vperm.xlane v53, v0  }
0x5e: {  	[tilespmem:$0x610] =	vst v50;
	v55 =	vadd.s32 v49, v12;
	v3 =	vsel vm1, v3, v4  }
0x5f: {  	[tilespmem:$0x680] =	vst v55;
	v3 =	vadd.s32 v51, v3;
	v56 =	vadd.s32 v1, v54  }
0x60: {  	[tilespmem:$0x690] =	vst v3  }
0x61: {  	_ =	swait.ge [sflag:s29], $0x8000  }
0x62: {  	[sflag:s29] =	ssyncset.done $0x0  }
0x63: {  	s0 =	simm.s32 $0x700;
	[sflag:s29] =	ssyncadd.s32 $0xFFFF8000  }
0x64: {  	[hbm4b:s4+s2] =	stream.indirect_vreg.scatter [tilespmem:s0], [sflag:$0x3], $0x80, v56, vm0, $0xb8;
	[tilespmem:$0x10700] =	vst v63  }
0x65: {  	s28 =	simm.s32 $0xF00;
	v3 =	vperm.xlane v53, v2  }
0x66: {  	[hbm4b:s5+s2] =	stream.indirect_vreg.scatter [tilespmem:s28], [sflag:$0x3], $0x80, v56, vm0, $0xb8;
	[tilespmem:$0x10700] =	vst v63  }
0x67: {  	s1 =	simm.s32 $0x1700;
	v3 =	vadd.s32 v1, v3  }
0x68: {  	[hbm4b:s6+s2] =	stream.indirect_vreg.scatter [tilespmem:s1], [sflag:$0x3], $0x80, v56, vm0, $0xb8;
	[tilespmem:$0x10700] =	vst v63  }
0x69: {  	_ = 	snop  }
0x6a: {  	[hbm4b:s7+s2] =	stream.indirect_vreg.scatter [tilespmem:s31], [sflag:$0x3], $0x80, v56, vm0, $0xb8;
	[tilespmem:$0x10700] =	vst v63  }
0x6b: {  	s3 =	simm.s32 $0x2700  }
0x6c: {  	[hbm4b:s4+s2] =	stream.indirect_vreg.scatter [tilespmem:s3], [sflag:$0x3], $0x80, v3, vm0, $0xb8;
	[tilespmem:$0x10700] =	vst v63  }
0x6d: {  	s26 =	simm.s32 $0x2F00  }
0x6e: {  	[hbm4b:s5+s2] =	stream.indirect_vreg.scatter [tilespmem:s26], [sflag:$0x3], $0x80, v3, vm0, $0xb8;
	[tilespmem:$0x10700] =	vst v63  }
0x6f: {  	s3 =	simm.s32 $0x3700  }
0x70: {  	[hbm4b:s6+s2] =	stream.indirect_vreg.scatter [tilespmem:s3], [sflag:$0x3], $0x80, v3, vm0, $0xb8;
	[tilespmem:$0x10700] =	vst v63  }
0x71: {  	s26 =	simm.s32 $0x3F00  }
0x72: {  	[hbm4b:s7+s2] =	stream.indirect_vreg.scatter [tilespmem:s26], [sflag:$0x3], $0x80, v3, vm0, $0xb8;
	[tilespmem:$0x10700] =	vst v63  }
0x73: {  	v3 =	vld [tilespmem:$0x510];
	_ =	sdelay $0x4  }
0x74: {  	v57 =	vshll.u32 v3, $0x3  }
0x75: {  	v3 =	vand.u32 $0x7, v3;
	v4 =	vand.u32 $0xFFFFFFC0, v57  }
0x76: {  	v3 =	vor.u32 v3, v4  }
0x77: {  	v4 =	vperm.xlane v3, v0;
	_ =	sdelay $0x1  }
0x78: {  	v4 =	vadd.s32 v1, v4;
	_ =	sdelay $0x3  }
0x79: {  	s3 =	simm.s32 $0x4700  }
0x7a: {  	[hbm4b:s4+s2] =	stream.indirect_vreg.scatter [tilespmem:s3], [sflag:$0x3], $0x80, v4, vm0, $0xb8;
	[tilespmem:$0x10700] =	vst v63  }
0x7b: {  	s26 =	simm.s32 $0x4F00;
	v3 =	vperm.xlane v3, v2  }
0x7c: {  	[hbm4b:s5+s2] =	stream.indirect_vreg.scatter [tilespmem:s26], [sflag:$0x3], $0x80, v4, vm0, $0xb8;
	[tilespmem:$0x10700] =	vst v63  }
0x7d: {  	v3 =	vadd.s32 v1, v3;
	s3 =	simm.s32 $0x5700  }
0x7e: {  	[hbm4b:s6+s2] =	stream.indirect_vreg.scatter [tilespmem:s3], [sflag:$0x3], $0x80, v4, vm0, $0xb8;
	[tilespmem:$0x10700] =	vst v63  }
0x7f: {  	s26 =	simm.s32 $0x5F00  }
0x80: {  	[hbm4b:s7+s2] =	stream.indirect_vreg.scatter [tilespmem:s26], [sflag:$0x3], $0x80, v4, vm0, $0xb8;
	[tilespmem:$0x10700] =	vst v63  }
0x81: {  	s3 =	simm.s32 $0x6700  }
0x82: {  	[hbm4b:s4+s2] =	stream.indirect_vreg.scatter [tilespmem:s3], [sflag:$0x3], $0x80, v3, vm0, $0xb8;
	[tilespmem:$0x10700] =	vst v63  }
0x83: {  	s26 =	simm.s32 $0x6F00  }
0x84: {  	[hbm4b:s5+s2] =	stream.indirect_vreg.scatter [tilespmem:s26], [sflag:$0x3], $0x80, v3, vm0, $0xb8;
	[tilespmem:$0x10700] =	vst v63  }
0x85: {  	_ = 	snop  }
0x86: {  	[hbm4b:s6+s2] =	stream.indirect_vreg.scatter [tilespmem:s21], [sflag:$0x3], $0x80, v3, vm0, $0xb8;
	[tilespmem:$0x10700] =	vst v63  }
0x87: {  	_ = 	snop  }
0x88: {  	[hbm4b:s7+s2] =	stream.indirect_vreg.scatter [tilespmem:s22], [sflag:$0x3], $0x80, v3, vm0, $0xb8;
	[tilespmem:$0x10700] =	vst v63  }
0x89: {  	_ =	swait.ge [sflag:s30], $0x8000  }
0x8a: {  	[sflag:s30] =	ssyncset.done $0x0  }
0x8b: {  	s3 =	rddreg [dreg:$0x8];
	[sflag:s30] =	ssyncadd.s32 $0xFFFF8000  }
0x8c: {  	[tilespmem:s0], [sflag:$0x1] =	stream.linear.gather [hbm4b:s3+s2], $0x8000, $0x38;
	[tilespmem:$0x10700] =	vst v63  }
0x8d: {  	_ =	swait.ge [sflag:s25], $0x8000  }
0x8e: {  	[sflag:s25] =	ssyncset.done $0x0  }
0x8f: {  	[sflag:s25] =	ssyncadd.s32 $0xFFFF8000  }
0x90: {  	v3 =	vld [tilespmem:$0x580];
	_ =	sdelay $0x4  }
0x91: {  	v58 =	vshll.u32 v3, $0x3  }
0x92: {  	v3 =	vand.u32 $0x7, v3;
	v4 =	vand.u32 $0xFFFFFFC0, v58  }
0x93: {  	v3 =	vor.u32 v3, v4  }
0x94: {  	v4 =	vperm.xlane v3, v0;
	_ =	sdelay $0x1  }
0x95: {  	v4 =	vadd.s32 v1, v4;
	_ =	sdelay $0x3  }
0x96: {  	s1 =	simm.s32 $0x8700  }
0x97: {  	[hbm4b:s4+s2] =	stream.indirect_vreg.scatter [tilespmem:s1], [sflag:$0x4], $0x80, v4, vm0, $0xb8;
	[tilespmem:$0x10700] =	vst v63  }
0x98: {  	v3 =	vperm.xlane v3, v2  }
0x99: {  	[hbm4b:s5+s2] =	stream.indirect_vreg.scatter [tilespmem:s23], [sflag:$0x4], $0x80, v4, vm0, $0xb8;
	[tilespmem:$0x10700] =	vst v63  }
0x9a: {  	v3 =	vadd.s32 v1, v3  }
0x9b: {  	[hbm4b:s6+s2] =	stream.indirect_vreg.scatter [tilespmem:s24], [sflag:$0x4], $0x80, v4, vm0, $0xb8;
	[tilespmem:$0x10700] =	vst v63  }
0x9c: {  	_ = 	snop  }
0x9d: {  	[hbm4b:s7+s2] =	stream.indirect_vreg.scatter [tilespmem:s9], [sflag:$0x4], $0x80, v4, vm0, $0xb8;
	[tilespmem:$0x10700] =	vst v63  }
0x9e: {  	_ = 	snop  }
0x9f: {  	[hbm4b:s4+s2] =	stream.indirect_vreg.scatter [tilespmem:s12], [sflag:$0x4], $0x80, v3, vm0, $0xb8;
	[tilespmem:$0x10700] =	vst v63  }
0xa0: {  	_ = 	snop  }
0xa1: {  	[hbm4b:s5+s2] =	stream.indirect_vreg.scatter [tilespmem:s11], [sflag:$0x4], $0x80, v3, vm0, $0xb8;
	[tilespmem:$0x10700] =	vst v63  }
0xa2: {  	_ = 	snop  }
0xa3: {  	[hbm4b:s6+s2] =	stream.indirect_vreg.scatter [tilespmem:s10], [sflag:$0x4], $0x80, v3, vm0, $0xb8;
	[tilespmem:$0x10700] =	vst v63  }
0xa4: {  	_ = 	snop  }
0xa5: {  	[hbm4b:s7+s2] =	stream.indirect_vreg.scatter [tilespmem:s19], [sflag:$0x4], $0x80, v3, vm0, $0xb8;
	[tilespmem:$0x10700] =	vst v63  }
0xa6: {  	v3 =	vld [tilespmem:$0x590];
	_ =	sdelay $0x4  }
0xa7: {  	v59 =	vshll.u32 v3, $0x3  }
0xa8: {  	v3 =	vand.u32 $0x7, v3;
	v4 =	vand.u32 $0xFFFFFFC0, v59  }
0xa9: {  	v3 =	vor.u32 v3, v4  }
0xaa: {  	v4 =	vperm.xlane v3, v0;
	_ =	sdelay $0x1  }
0xab: {  	v4 =	vadd.s32 v1, v4;
	_ =	sdelay $0x4  }
0xac: {  	[hbm4b:s4+s2] =	stream.indirect_vreg.scatter [tilespmem:s20], [sflag:$0x4], $0x80, v4, vm0, $0xb8;
	[tilespmem:$0x10700] =	vst v63  }
0xad: {  	s3 =	simm.s32 $0xCF00;
	v3 =	vperm.xlane v3, v2  }
0xae: {  	[hbm4b:s5+s2] =	stream.indirect_vreg.scatter [tilespmem:s3], [sflag:$0x4], $0x80, v4, vm0, $0xb8;
	[tilespmem:$0x10700] =	vst v63  }
0xaf: {  	v3 =	vadd.s32 v1, v3  }
0xb0: {  	[hbm4b:s6+s2] =	stream.indirect_vreg.scatter [tilespmem:s13], [sflag:$0x4], $0x80, v4, vm0, $0xb8;
	[tilespmem:$0x10700] =	vst v63  }
0xb1: {  	_ = 	snop  }
0xb2: {  	[hbm4b:s7+s2] =	stream.indirect_vreg.scatter [tilespmem:s14], [sflag:$0x4], $0x80, v4, vm0, $0xb8;
	[tilespmem:$0x10700] =	vst v63  }
0xb3: {  	_ = 	snop  }
0xb4: {  	[hbm4b:s4+s2] =	stream.indirect_vreg.scatter [tilespmem:s15], [sflag:$0x4], $0x80, v3, vm0, $0xb8;
	[tilespmem:$0x10700] =	vst v63  }
0xb5: {  	_ = 	snop  }
0xb6: {  	[hbm4b:s5+s2] =	stream.indirect_vreg.scatter [tilespmem:s16], [sflag:$0x4], $0x80, v3, vm0, $0xb8;
	[tilespmem:$0x10700] =	vst v63  }
0xb7: {  	_ = 	snop  }
0xb8: {  	[hbm4b:s6+s2] =	stream.indirect_vreg.scatter [tilespmem:s17], [sflag:$0x4], $0x80, v3, vm0, $0xb8;
	[tilespmem:$0x10700] =	vst v63  }
0xb9: {  	s0 =	simm.s32 $0x4  }
0xba: {  	[hbm4b:s7+s2] =	stream.indirect_vreg.scatter [tilespmem:s18], [sflag:$0x4], $0x80, v3, vm0, $0xb8;
	[tilespmem:$0x10700] =	vst v63  }
0xbb: {  	_ =	swait.ge [sflag:s0], $0x8000  }
0xbc: {  	[sflag:s0] =	ssyncset.done $0x0  }
0xbd: {  	s26 =	rddreg [dreg:$0x9];
	[sflag:s0] =	ssyncadd.s32 $0xFFFF8000  }
0xbe: {  	[tilespmem:s1], [sflag:$0x2] =	stream.linear.gather [hbm4b:s26+s2], $0x8000, $0x38;
	[tilespmem:$0x10700] =	vst v63  }
0xbf: {  	_ =	swait.ge [sflag:s29], $0x8000  }
0xc0: {  	[sflag:s29] =	ssyncset.done $0x0  }
0xc1: {  	[sflag:s29] =	ssyncadd.s32 $0xFFFF8000  }
0xc2: {  	v3 =	vld [tilespmem:$0x600];
	_ =	sdelay $0x4  }
0xc3: {  	v60 =	vshll.u32 v3, $0x3  }
0xc4: {  	v3 =	vand.u32 $0x7, v3;
	v4 =	vand.u32 $0xFFFFFFC0, v60  }
0xc5: {  	v3 =	vor.u32 v3, v4  }
0xc6: {  	v4 =	vperm.xlane v3, v0;
	_ =	sdelay $0x1  }
0xc7: {  	v4 =	vadd.s32 v1, v4;
	_ =	sdelay $0x3  }
0xc8: {  	s26 =	simm.s32 $0x700  }
0xc9: {  	[hbm4b:s4+s2] =	stream.indirect_vreg.scatter [tilespmem:s26], [sflag:$0x3], $0x80, v4, vm0, $0xb8;
	[tilespmem:$0x10700] =	vst v63  }
0xca: {  	v3 =	vperm.xlane v3, v2  }
0xcb: {  	[hbm4b:s5+s2] =	stream.indirect_vreg.scatter [tilespmem:s28], [sflag:$0x3], $0x80, v4, vm0, $0xb8;
	[tilespmem:$0x10700] =	vst v63  }
0xcc: {  	v3 =	vadd.s32 v1, v3;
	s28 =	simm.s32 $0x1700  }
0xcd: {  	[hbm4b:s6+s2] =	stream.indirect_vreg.scatter [tilespmem:s28], [sflag:$0x3], $0x80, v4, vm0, $0xb8;
	[tilespmem:$0x10700] =	vst v63  }
0xce: {  	_ = 	snop  }
0xcf: {  	[hbm4b:s7+s2] =	stream.indirect_vreg.scatter [tilespmem:s31], [sflag:$0x3], $0x80, v4, vm0, $0xb8;
	[tilespmem:$0x10700] =	vst v63  }
0xd0: {  	s28 =	simm.s32 $0x2700  }
0xd1: {  	[hbm4b:s4+s2] =	stream.indirect_vreg.scatter [tilespmem:s28], [sflag:$0x3], $0x80, v3, vm0, $0xb8;
	[tilespmem:$0x10700] =	vst v63  }
0xd2: {  	s28 =	simm.s32 $0x2F00  }
0xd3: {  	[hbm4b:s5+s2] =	stream.indirect_vreg.scatter [tilespmem:s28], [sflag:$0x3], $0x80, v3, vm0, $0xb8;
	[tilespmem:$0x10700] =	vst v63  }
0xd4: {  	s28 =	simm.s32 $0x3700  }
0xd5: {  	[hbm4b:s6+s2] =	stream.indirect_vreg.scatter [tilespmem:s28], [sflag:$0x3], $0x80, v3, vm0, $0xb8;
	[tilespmem:$0x10700] =	vst v63  }
0xd6: {  	s28 =	simm.s32 $0x3F00  }
0xd7: {  	[hbm4b:s7+s2] =	stream.indirect_vreg.scatter [tilespmem:s28], [sflag:$0x3], $0x80, v3, vm0, $0xb8;
	[tilespmem:$0x10700] =	vst v63  }
0xd8: {  	v3 =	vld [tilespmem:$0x610];
	_ =	sdelay $0x4  }
0xd9: {  	v61 =	vshll.u32 v3, $0x3  }
0xda: {  	v3 =	vand.u32 $0x7, v3;
	v4 =	vand.u32 $0xFFFFFFC0, v61  }
0xdb: {  	v3 =	vor.u32 v3, v4  }
0xdc: {  	v4 =	vperm.xlane v3, v0;
	_ =	sdelay $0x1  }
0xdd: {  	v4 =	vadd.s32 v1, v4;
	_ =	sdelay $0x3  }
0xde: {  	s28 =	simm.s32 $0x4700  }
0xdf: {  	[hbm4b:s4+s2] =	stream.indirect_vreg.scatter [tilespmem:s28], [sflag:$0x3], $0x80, v4, vm0, $0xb8;
	[tilespmem:$0x10700] =	vst v63  }
0xe0: {  	v3 =	vperm.xlane v3, v2;
	s28 =	simm.s32 $0x4F00  }
0xe1: {  	[hbm4b:s5+s2] =	stream.indirect_vreg.scatter [tilespmem:s28], [sflag:$0x3], $0x80, v4, vm0, $0xb8;
	[tilespmem:$0x10700] =	vst v63  }
0xe2: {  	v3 =	vadd.s32 v1, v3;
	s28 =	simm.s32 $0x5700  }
0xe3: {  	[hbm4b:s6+s2] =	stream.indirect_vreg.scatter [tilespmem:s28], [sflag:$0x3], $0x80, v4, vm0, $0xb8;
	[tilespmem:$0x10700] =	vst v63  }
0xe4: {  	s28 =	simm.s32 $0x5F00  }
0xe5: {  	[hbm4b:s7+s2] =	stream.indirect_vreg.scatter [tilespmem:s28], [sflag:$0x3], $0x80, v4, vm0, $0xb8;
	[tilespmem:$0x10700] =	vst v63  }
0xe6: {  	s28 =	simm.s32 $0x6700  }
0xe7: {  	[hbm4b:s4+s2] =	stream.indirect_vreg.scatter [tilespmem:s28], [sflag:$0x3], $0x80, v3, vm0, $0xb8;
	[tilespmem:$0x10700] =	vst v63  }
0xe8: {  	s28 =	simm.s32 $0x6F00  }
0xe9: {  	[hbm4b:s5+s2] =	stream.indirect_vreg.scatter [tilespmem:s28], [sflag:$0x3], $0x80, v3, vm0, $0xb8;
	[tilespmem:$0x10700] =	vst v63  }
0xea: {  	_ = 	snop  }
0xeb: {  	[hbm4b:s6+s2] =	stream.indirect_vreg.scatter [tilespmem:s21], [sflag:$0x3], $0x80, v3, vm0, $0xb8;
	[tilespmem:$0x10700] =	vst v63  }
0xec: {  	_ = 	snop  }
0xed: {  	[hbm4b:s7+s2] =	stream.indirect_vreg.scatter [tilespmem:s22], [sflag:$0x3], $0x80, v3, vm0, $0xb8;
	[tilespmem:$0x10700] =	vst v63  }
0xee: {  	_ =	swait.ge [sflag:s30], $0x8000  }
0xef: {  	[sflag:s30] =	ssyncset.done $0x0  }
0xf0: {  	[sflag:s30] =	ssyncadd.s32 $0xFFFF8000  }
0xf1: {  	_ =	swait.ge [sflag:s25], $0x8000  }
0xf2: {  	[sflag:s25] =	ssyncset.done $0x0  }
0xf3: {  	[sflag:s25] =	ssyncadd.s32 $0xFFFF8000  }
0xf4: {  	v3 =	vld [tilespmem:$0x680];
	_ =	sdelay $0x4  }
0xf5: {  	v62 =	vshll.u32 v3, $0x3  }
0xf6: {  	v3 =	vand.u32 $0x7, v3;
	v4 =	vand.u32 $0xFFFFFFC0, v62  }
0xf7: {  	v3 =	vor.u32 v3, v4  }
0xf8: {  	v4 =	vperm.xlane v3, v0;
	_ =	sdelay $0x1  }
0xf9: {  	v4 =	vadd.s32 v1, v4;
	_ =	sdelay $0x3  }
0xfa: {  	s1 =	simm.s32 $0x8700  }
0xfb: {  	[hbm4b:s4+s2] =	stream.indirect_vreg.scatter [tilespmem:s1], [sflag:$0x4], $0x80, v4, vm0, $0xb8;
	[tilespmem:$0x10700] =	vst v63  }
0xfc: {  	v3 =	vperm.xlane v3, v2  }
0xfd: {  	[hbm4b:s5+s2] =	stream.indirect_vreg.scatter [tilespmem:s23], [sflag:$0x4], $0x80, v4, vm0, $0xb8;
	[tilespmem:$0x10700] =	vst v63  }
0xfe: {  	v3 =	vadd.s32 v1, v3  }
0xff: {  	[hbm4b:s6+s2] =	stream.indirect_vreg.scatter [tilespmem:s24], [sflag:$0x4], $0x80, v4, vm0, $0xb8;
	[tilespmem:$0x10700] =	vst v63  }
0x100: {  	_ = 	snop  }
0x101: {  	[hbm4b:s7+s2] =	stream.indirect_vreg.scatter [tilespmem:s9], [sflag:$0x4], $0x80, v4, vm0, $0xb8;
	[tilespmem:$0x10700] =	vst v63  }
0x102: {  	_ = 	snop  }
0x103: {  	[hbm4b:s4+s2] =	stream.indirect_vreg.scatter [tilespmem:s12], [sflag:$0x4], $0x80, v3, vm0, $0xb8;
	[tilespmem:$0x10700] =	vst v63  }
0x104: {  	_ = 	snop  }
0x105: {  	[hbm4b:s5+s2] =	stream.indirect_vreg.scatter [tilespmem:s11], [sflag:$0x4], $0x80, v3, vm0, $0xb8;
	[tilespmem:$0x10700] =	vst v63  }
0x106: {  	_ = 	snop  }
0x107: {  	[hbm4b:s6+s2] =	stream.indirect_vreg.scatter [tilespmem:s10], [sflag:$0x4], $0x80, v3, vm0, $0xb8;
	[tilespmem:$0x10700] =	vst v63  }
0x108: {  	_ = 	snop  }
0x109: {  	[hbm4b:s7+s2] =	stream.indirect_vreg.scatter [tilespmem:s19], [sflag:$0x4], $0x80, v3, vm0, $0xb8;
	[tilespmem:$0x10700] =	vst v63  }
0x10a: {  	v3 =	vld [tilespmem:$0x690];
	_ =	sdelay $0x4  }
0x10b: {  	v63 =	vshll.u32 v3, $0x3  }
0x10c: {  	v3 =	vand.u32 $0x7, v3;
	v4 =	vand.u32 $0xFFFFFFC0, v63  }
0x10d: {  	v3 =	vor.u32 v3, v4  }
0x10e: {  	v4 =	vperm.xlane v3, v0;
	_ =	sdelay $0x1  }
0x10f: {  	v4 =	vadd.s32 v1, v4;
	_ =	sdelay $0x4  }
0x110: {  	[hbm4b:s4+s2] =	stream.indirect_vreg.scatter [tilespmem:s20], [sflag:$0x4], $0x80, v4, vm0, $0xb8;
	[tilespmem:$0x10700] =	vst v63  }
0x111: {  	v3 =	vperm.xlane v3, v2  }
0x112: {  	[hbm4b:s5+s2] =	stream.indirect_vreg.scatter [tilespmem:s3], [sflag:$0x4], $0x80, v4, vm0, $0xb8;
	[tilespmem:$0x10700] =	vst v63  }
0x113: {  	v3 =	vadd.s32 v1, v3  }
0x114: {  	[hbm4b:s6+s2] =	stream.indirect_vreg.scatter [tilespmem:s13], [sflag:$0x4], $0x80, v4, vm0, $0xb8;
	[tilespmem:$0x10700] =	vst v63  }
0x115: {  	_ = 	snop  }
0x116: {  	[hbm4b:s7+s2] =	stream.indirect_vreg.scatter [tilespmem:s14], [sflag:$0x4], $0x80, v4, vm0, $0xb8;
	[tilespmem:$0x10700] =	vst v63  }
0x117: {  	_ = 	snop  }
0x118: {  	[hbm4b:s4+s2] =	stream.indirect_vreg.scatter [tilespmem:s15], [sflag:$0x4], $0x80, v3, vm0, $0xb8;
	[tilespmem:$0x10700] =	vst v63  }
0x119: {  	_ = 	snop  }
0x11a: {  	[hbm4b:s5+s2] =	stream.indirect_vreg.scatter [tilespmem:s16], [sflag:$0x4], $0x80, v3, vm0, $0xb8;
	[tilespmem:$0x10700] =	vst v63  }
0x11b: {  	p0 =	sne.s32 s8, $0x1  }
0x11c: {  	[hbm4b:s6+s2] =	stream.indirect_vreg.scatter [tilespmem:s17], [sflag:$0x4], $0x80, v3, vm0, $0xb8;
	[tilespmem:$0x10700] =	vst v63  }
.Ltmp0:
0x11d: {  	_ = 	snop;
	(pc) =	sbr.rel @p0 .LBB2_1-.Ltmp0, $4  }
0x11e: {  	[hbm4b:s7+s2] =	stream.indirect_vreg.scatter [tilespmem:s18], [sflag:$0x4], $0x80, v3, vm0, $0xb8;
	[tilespmem:$0x10700] =	vst v63  }
0x11f: {  	_ =	swait.ge [sflag:s0], $0x8000  }
0x120: {  	[sflag:s0] =	ssyncset.done $0x0  }
0x121: {  	s8 =	sadd.s32 $0xFFFFFFFF, s8;
	[sflag:s0] =	ssyncadd.s32 $0xFFFF8000  }
0x122: {  	_ =	sfence.sel $0x180000  }
0x123: {  	[bflag:$0x0] =	sbarrier.arrive $0xFFFF  }
0x124: {  	_ =	strace $0x90000047  }
0x125: {  	s0 =	stileid.u32;
	[bflag:$0x2] =	sbarrier.arrive $0xFFFF  }
0x126: {  	p0 =	sne.s32 s0, $0x0;
	s0 =	rddreg [dreg:$0x3]  }
0x127: {  	s0 =	sadd.s32 @!p0 $0x100000, s0  }
0x128: {  	[sflag:s0] =	ssyncadd.tile.s32 @!p0 $0x1;
	_ =	shalt  }
.Lfunc_end2:
_tile_overlayer_lowered:
.L_overlay_start_2:
0x129: {  	(tag) =	ssettag $0x2  }
0x12a: {  	s0 =	rddreg [dreg:$0x0];
	s2 =	stileid.u32  }
0x12b: {  	s1 =	rddreg [dreg:$0x1];
	p0 =	sne.s32 s2, $0x0  }
0x12c: {  	s3 =	rddreg [dreg:$0x2];
	[bflag:$0x3] =	sbarrier.arrive $0xFFFF;
	s2 =	simm.s32 @!p0 $0x1C05  }
0x12d: {  	[timem:s3], [sflag:s2] =	dma.local @!p0 [hbm:s0], s1  }
0x12e: {  	s0 =	simm.s32 @!p0 $0x5  }
0x12f: {  	_ =	swait.ge @!p0 [sflag:s0], s1  }
0x130: {  	s1 =	ssub.s32 @!p0 $0x0, s1;
	[sflag:s0] =	ssyncset.done @!p0 $0x0  }
0x131: {  	[sflag:s0] =	ssyncadd.s32 @!p0 s1  }
0x132: {  	[bflag:$0x3] =	sbarrier.arrive $0xFFFF  }
0x133: {  	_ =	shalt  }

// kernel: kernel.7.cloned.1.call-start
scs
__scs_entry_jumppad:
0x0: {  	(pc) =	sbr.rel $0x88, $3  }
0x1: {  	(tag) =	ssettag $0x0;
	lr =	simm.s32 $0x1  }
0x2: {  	[smem:$0x3F9F] =	sst lr;
	_ =	strace $0xD0000000  }
0x3: {  	_ = 	snop  }
0x4: {  	_ = 	snop  }
0x5: {  	_ = 	snop  }
0x6: {  	_ = 	snop  }
0x7: {  	_ = 	snop  }
__scs_overlays_trampoline_lowered:
0x8: {  	[smem:$0x3FAE] =	sst s0  }
0x9: {  	[smem:$0x3FAF] =	sst s1  }
0xa: {  	[smem:$0x3FB0] =	sst s2  }
0xb: {  	[smem:$0x3FB1] =	sst s3  }
0xc: {  	[smem:$0x3FB2] =	sst s4  }
0xd: {  	[smem:$0x3FB3] =	sst s5  }
0xe: {  	[smem:$0x3FB4] =	sst s6  }
0xf: {  	[smem:$0x3FB5] =	sst s7  }
0x10: {  	[smem:$0x3FB6] =	sst s8  }
0x11: {  	[smem:$0x3FB7] =	sst s9;
	s0 =	simm.s32 @!p0 $0x0  }
0x12: {  	s1 =	sld [smem:$0x3F9D];
	s0 =	simm.s32 @p0 $0x1  }
0x13: {  	[smem:$0x3FB8] =	sst s0;
	s0 =	simm.s32 @!p1 $0x0  }
0x14: {  	s2 =	sld [smem:$0x3F9C];
	s0 =	simm.s32 @p1 $0x1  }
0x15: {  	[smem:$0x3FB9] =	sst s0;
	s0 =	simm.s32 @!p2 $0x0  }
0x16: {  	s3 =	sld [smem:$0x3FDB];
	s0 =	simm.s32 @p2 $0x1  }
0x17: {  	s4 =	simm.s32 $0x1BF5;
	[smem:$0x3FBB] =	sst s0  }
0x18: {  	s0 =	sld [smem:$0x3F9E];
	_ =	swait.ge [sflag:s4], $0x0  }
0x19: {  	s7 =	sld [smem:$0x3F9F]  }
0x1a: {  	s8 =	sadd.s32 $0xFFFFE003, lr  }
0x1b: {  	s9 =	sadd.s32 $0xFFFFFEF7, lr;
	s5 =	simm.s32 $0xFFFFFFFF;
	p2 =	slt.u32 s8, $0xFFFFF086  }
0x1c: {  	p1 =	slt.u32 s9, $0xF7A;
	s5 =	simm.s32 @!p2 $0x0  }
0x1d: {  	s5 =	simm.s32 @p1 $0x1;
	p0 =	seq.s32 s7, s2  }
0x1e: {  	s7 =	smul.u32 @!p0 $0xF7A, s2;
	p2 =	seq.s32 @!p0 s5, $0x0  }
0x1f: {  	s9 =	smul.u32 $0xF7A, s1;
	s8 =	simm.s32 @!p0 $0x1BF5;
	p2 =	por !p2, p0  }
0x20: {  	[sflag:s8] =	ssyncset.s32 @!p0 $0xFFFFF086;
	s6 =	sadd.s32 @!p0 s3, s7;
	s7 =	simm.s32 @!p0 $0x108  }
0x21: {  	s3 =	sadd.s32 s3, s9;
	s6 =	sadd.s32 @!p0 $0x88, s6;
	s7 =	simm.s32 @p2 $0x1082  }
0x22: {  	[simem:s7], [sflag:s8] =	dma.local @!p0 [hbm:s6], $0xF7A  }
0x23: {  	s9 =	sor.u32 $0xD0000000, s2;
	s6 =	simm.s32 $0x108;
	_ =	swait.ge @!p0 [sflag:s8], $0x0  }
0x24: {  	s3 =	sadd.s32 $0x88, s3;
	s6 =	simm.s32 @!p1 $0x1082;
	[sflag:s4] =	ssyncset.s32 $0xFFFFF086  }
0x25: {  	[simem:s6], [sflag:s4] =	dma.local [hbm:s3], $0xF7A  }
0x26: {  	[smem:$0x3F9F] =	sst s1;
	(tag) =	ssettag s2;
	_ =	strace s9  }
0x27: {  	s1 =	sld [smem:$0x3FAF]  }
0x28: {  	s2 =	sld [smem:$0x3FB0]  }
0x29: {  	s4 =	sld [smem:$0x3FB2]  }
0x2a: {  	p0 =	seq.s32 s5, $0x0;
	s5 =	sld [smem:$0x3FB3]  }
0x2b: {  	s6 =	sld [smem:$0x3FB4]  }
0x2c: {  	s7 =	sld [smem:$0x3FB5]  }
0x2d: {  	s3 =	simm.s32 $0x108;
	s8 =	sld [smem:$0x3FB6]  }
0x2e: {  	s3 =	simm.s32 @!p0 $0x1082;
	s9 =	sld [smem:$0x3FB7]  }
0x2f: {  	lr =	sadd.s32 s0, s3;
	s0 =	sld [smem:$0x3FAE]  }
0x30: {  	s3 =	sld [smem:$0x3FB1]  }
0x31: {  	[smem:$0x3FBA] =	sst s10  }
0x32: {  	s10 =	sld [smem:$0x3FB8];
	_ =	sdelay $0x3  }
0x33: {  	p0 =	seq.s32 s10, $0x1;
	s10 =	sld [smem:$0x3FBA];
	_ =	sdelay $0x3  }
0x34: {  	[smem:$0x3FBA] =	sst s10  }
0x35: {  	s10 =	sld [smem:$0x3FB9];
	_ =	sdelay $0x3  }
0x36: {  	p1 =	seq.s32 s10, $0x1;
	s10 =	sld [smem:$0x3FBA];
	_ =	sdelay $0x3  }
0x37: {  	[smem:$0x3FBA] =	sst s10  }
0x38: {  	s10 =	sld [smem:$0x3FBB]  }
0x39: {  	_ = 	snop;
	(pc) =	sbr.ind lr, $3  }
0x3a: {  	_ = 	snop  }
0x3b: {  	_ = 	snop  }
0x3c: {  	p2 =	seq.s32 s10, $0x1;
	s10 =	sld [smem:$0x3FBA]  }
0x3d: {  	_ =	shalt  }
0x3e: {  	_ =	shalt  }
0x3f: {  	_ =	shalt  }
0x40: {  	_ =	shalt  }
0x41: {  	_ =	shalt  }
0x42: {  	_ =	shalt  }
0x43: {  	_ =	shalt  }
0x44: {  	_ =	shalt  }
0x45: {  	_ =	shalt  }
0x46: {  	_ =	shalt  }
0x47: {  	_ =	shalt  }
0x48: {  	_ =	shalt  }
0x49: {  	_ =	shalt  }
0x4a: {  	_ =	shalt  }
0x4b: {  	_ =	shalt  }
0x4c: {  	_ =	shalt  }
0x4d: {  	_ =	shalt  }
0x4e: {  	_ =	shalt  }
0x4f: {  	_ =	shalt  }
0x50: {  	_ =	shalt  }
0x51: {  	_ =	shalt  }
0x52: {  	_ =	shalt  }
0x53: {  	_ =	shalt  }
0x54: {  	_ =	shalt  }
0x55: {  	_ =	shalt  }
0x56: {  	_ =	shalt  }
0x57: {  	_ =	shalt  }
0x58: {  	_ =	shalt  }
0x59: {  	_ =	shalt  }
0x5a: {  	_ =	shalt  }
0x5b: {  	_ =	shalt  }
0x5c: {  	_ =	shalt  }
0x5d: {  	_ =	shalt  }
0x5e: {  	_ =	shalt  }
0x5f: {  	_ =	shalt  }
0x60: {  	_ =	shalt  }
0x61: {  	_ =	shalt  }
0x62: {  	_ =	shalt  }
0x63: {  	_ =	shalt  }
0x64: {  	_ =	shalt  }
0x65: {  	_ =	shalt  }
0x66: {  	_ =	shalt  }
0x67: {  	_ =	shalt  }
0x68: {  	_ =	shalt  }
0x69: {  	_ =	shalt  }
0x6a: {  	_ =	shalt  }
0x6b: {  	_ =	shalt  }
0x6c: {  	_ =	shalt  }
0x6d: {  	_ =	shalt  }
0x6e: {  	_ =	shalt  }
0x6f: {  	_ =	shalt  }
0x70: {  	_ =	shalt  }
0x71: {  	_ =	shalt  }
0x72: {  	_ =	shalt  }
0x73: {  	_ =	shalt  }
0x74: {  	_ =	shalt  }
0x75: {  	_ =	shalt  }
0x76: {  	_ =	shalt  }
0x77: {  	_ =	shalt  }
0x78: {  	_ =	shalt  }
0x79: {  	_ =	shalt  }
0x7a: {  	_ =	shalt  }
0x7b: {  	_ =	shalt  }
0x7c: {  	_ =	shalt  }
0x7d: {  	_ =	shalt  }
0x7e: {  	_ =	shalt  }
0x7f: {  	_ =	shalt  }
0x80: {  	_ =	shalt  }
0x81: {  	_ =	shalt  }
0x82: {  	_ =	shalt  }
0x83: {  	_ =	shalt  }
0x84: {  	_ =	shalt  }
0x85: {  	_ =	shalt  }
0x86: {  	_ =	shalt  }
0x87: {  	_ =	shalt  }
.Lfunc_end0:
.L_simem_size_0:
called_computation.1_lowered:
.L_overlay_start_0:
0x88: {  	s2 =	sld [smem:$0x3FD9]  }
0x89: {  	s3 =	sld [smem:$0x3FFE];
	_ =	sdelay $0x1  }
0x8a: {  	s1 =	srdreg.scid  }
0x8b: {  	s0 =	sand.u32 $0x1, s1  }
0x8c: {  	s14 =	sshll.u32 s0, $0xA;
	s2 =	sadd.s32 s3, s2  }
0x8d: {  	s2 =	sadd.s32 s2, s14  }
0x8e: {  	[smem:$0x3FC6] =	sst s2  }
0x8f: {  	_ = 	snop  }
0x90: {  	s2 =	sld [smem:$0x3FD0];
	_ =	sdelay $0x2  }
0x91: {  	s15 =	simm.s32 $0xA;
	s4 =	simm.s32 $0x10  }
0x92: {  	[smem:s4], [sflag:s15] =	dma.local [hbm:s2], $0x1  }
0x93: {  	_ =	swait.eq [sflag:s15], $0x1  }
0x94: {  	[sflag:s15] =	ssyncset.done $0x0  }
0x95: {  	s16 =	sld [smem:$0x10];
	[sflag:s15] =	ssyncadd.s32 $0xFFFFFFFF  }
0x96: {  	s17 =	sld [smem:$0x11];
	(tm) =	ssettm $0x1  }
0x97: {  	s18 =	sld [smem:$0x3FFB];
	_ =	sdelay $0x3  }
0x98: {  	_ =	strace s18  }
0x99: {  	s4 =	sld [smem:$0x3FFC];
	_ =	sdelay $0x3  }
0x9a: {  	_ =	strace s4  }
0x9b: {  	s4 =	sld [smem:$0x3FFD];
	_ =	sdelay $0x3  }
0x9c: {  	_ =	strace s4  }
0x9d: {  	_ =	strace $0x8FFFFFFF  }
0x9e: {  	s19 =	sld [smem:$0x3FDB];
	_ =	sdelay $0x1  }
0x9f: {  	s5 =	simm.s32 $_scs_section_size  }
0xa0: {  	s6 =	simm.s32 $_size__tile_overlayer_lowered;
	s7 =	simm.s32 $_tile_overlayer_lowered  }
0xa1: {  	s22 =	simm.s32 $0x1BFF;
	s21 =	sshll.u32 s7, $0x1;
	s4 =	sadd.s32 s5, s19  }
0xa2: {  	s8 =	simm.s32 $0x0;
	s20 =	sshll.u32 s6, $0x1;
	s6 =	sadd.s32 s21, s4  }
0xa3: {  	[timem:s8], [sflag:s22] =	dma.local [hbm:s6], s20  }
0xa4: {  	_ =	swait.ge [sflag:s22], s20  }
0xa5: {  	s5 =	ssub.s32 $0x0, s20;
	[sflag:s22] =	ssyncset.done $0x0  }
0xa6: {  	[sflag:s22] =	ssyncadd.s32 s5;
	_ =	sdelay $0x1  }
0xa7: {  	s23 =	simm.s32 $0x1B8B  }
0xa8: {  	_ =	swait.ge [sflag:s23], $0x1  }
0xa9: {  	[sflag:s23] =	ssyncset.done $0x0  }
0xaa: {  	s25 =	simm.s32 $0x1B8E;
	s24 =	sld [smem:$0x3FFE];
	[sflag:s23] =	ssyncadd.s32 $0xFFFFFFFF  }
0xab: {  	s26 =	simm.s32 $execute0_lowered;
	[smem:$0x3FD2] =	sst s25  }
0xac: {  	s6 =	sshll.u32 s26, $0x1;
	_ =	strace $0x80000049;
	[dreg:$0x1] =	wrdreg $0xFFFFFFFF  }
0xad: {  	s28 =	simm.s32 $_size_execute0_lowered;
	s4 =	sadd.s32 s4, s6;
	[dreg:$0x0] =	wrdreg $0x0  }
0xae: {  	s6 =	sshll.u32 s28, $0x1;
	[dreg:$0x2] =	wrdreg s4  }
0xaf: {  	[dreg:$0x3] =	wrdreg s6  }
0xb0: {  	[dreg:$0x4] =	wrdreg $0xC0  }
0xb1: {  	_ =	task [dreg:s8], $0x5FFFF  }
0xb2: {  	[dreg:$0x1] =	wrdreg $0xFFFFFFFF  }
0xb3: {  	[dreg:$0x0] =	wrdreg $0x60  }
0xb4: {  	[dreg:$0x2] =	wrdreg s24  }
0xb5: {  	[dreg:$0x3] =	wrdreg s17  }
0xb6: {  	[dreg:$0x4] =	wrdreg s16  }
0xb7: {  	[dreg:$0x5] =	wrdreg $0x9  }
0xb8: {  	_ =	task.clear_ibuf [dreg:s8], $0x6FFFF;
	_ =	strace $0x90000049  }
0xb9: {  	s29 =	simm.s32 $0x9;
	_ =	strace $0x8000004B  }
0xba: {  	_ =	swait.ge [sflag:s29], $0x1  }
0xbb: {  	[sflag:s29] =	ssyncadd.s32 $0xFFFFFFFF  }
0xbc: {  	_ =	strace $0x9000004B  }
0xbd: {  	_ =	sfence  }
0xbe: {  	s30 =	sld [smem:$0x0];
	_ =	sdelay $0x2  }
0xbf: {  	s31 =	sshll.u32 s1, $0xD;
	s1 =	sshrl.u32 s1, $0x2  }
0xc0: {  	s3 =	sand.u32 $0x4000, s31;
	s1 =	sadd.s32 s1, s30  }
0xc1: {  	s0 =	sor.u32 s3, s0;
	s1 =	sshll.u32 s1, $0x11  }
0xc2: {  	s0 =	sor.u32 s1, s0  }
0xc3: {  	s0 =	sadd.s32 $0x8F2B, s0  }
0xc4: {  	[sflag:s0] =	ssyncadd.remote.s32 $0x1  }
0xc5: {  	_ =	sfence.sel $0xFFFF  }
0xc6: {  	[dreg:$0x0] =	wrdreg $0xFFFFFFFF;
	(pc) =	sbr.abs _section_cstart, $3  }
0xc7: {  	[dreg:$0x1] =	wrdreg $0xFFFFFFFF  }
0xc8: {  	_ =	task.clear_ibuf [dreg:s8], $0x2FFFF;
	_ =	strace $0x9FFFFFFF  }
0xc9: {  	(tm) =	ssettm $0x7FFFFFFF  }
tec
execute0_lowered:
.L_overlay_start_1:
0x0: {  	(tag) =	ssettag $0x1  }
0x1: {  	s0 =	rddreg [dreg:$0x0]  }
0x2: {  	s1 =	rddreg [dreg:$0x1]  }
0x3: {  	s4 =	rddreg [dreg:$0x2];
	s3 =	srdreg.scid  }
0x4: {  	s2 =	simm.s32 $0x0;
	s6 =	stileid.u32;
	s25 =	simm.s32 $0x80  }
0x5: {  	s26 =	simm.s32 $0x100;
	s28 =	simm.s32 $0x1F00;
	s29 =	simm.s32 $0x2700  }
0x6: {  	s30 =	simm.s32 $0x2F00;
	s31 =	simm.s32 $0x3700;
	s11 =	simm.s32 $0x4F00  }
0x7: {  	s13 =	simm.s32 $0x5F00;
	s14 =	simm.s32 $0x6700;
	s15 =	simm.s32 $0x6F00  }
0x8: {  	s16 =	simm.s32 $0x7700;
	s10 =	simm.s32 $0x9F00;
	s5 =	sand.u32 $0x1, s3  }
0x9: {  	[smem:$0x7FF] =	sst s2;
	s17 =	sshll.u32 s6, $0x8;
	s7 =	sadd.s32 $0x200, s0  }
0xa: {  	s3 =	sadd.s32 $0x400, s0;
	_ =	strace $0x8000004A;
	[dreg:$0x4] =	wrdreg s7  }
0xb: {  	s18 =	sshll.u32 s5, $0x7;
	s5 =	ssub.s32 $0x2, s5;
	[dreg:$0xa] =	wrdreg s25  }
0xc: {  	s7 =	sadd.s32 $0x700, s0;
	[dreg:$0xb] =	wrdreg s26;
	s26 =	simm.s32 $0x700  }
0xd: {  	s6 =	sor.u32 s18, s17;
	s21 =	sshrl.u32 s5, $0x1;
	s17 =	simm.s32 $0x7F00  }
0xe: {  	s18 =	simm.s32 $0x8F00;
	s19 =	sshrl.u32 s6, $0x3;
	s6 =	sshll.u32 s6, $0x7  }
0xf: {  	s8 =	ssub.s32 s5, s21;
	s5 =	sadd.s32 $0x500, s0;
	s1 =	sadd.s32 s1, s19  }
0x10: {  	s21 =	simm.s32 $0xA700;
	s20 =	sadd.s32 s0, s19;
	[dreg:$0x5] =	wrdreg s1  }
0x11: {  	s4 =	sadd.s32 s4, s6;
	s6 =	sadd.s32 $0x600, s0;
	[dreg:$0x6] =	wrdreg s20  }
0x12: {  	s8 =	smax.u32 s8, $0x1;
	s22 =	sadd.s32 $0x1000, s4;
	[dreg:$0xc] =	wrdreg s4  }
0x13: {  	v2 =	vlaneseq.u32;
	s19 =	simm.s32 $0x9700;
	s23 =	sadd.s32 $0x2000, s4;
	[dreg:$0x7] =	wrdreg s22  }
0x14: {  	vm0 =	vmmov $0xffff;
	v1 =	vshrl.u32 v2, $0x3;
	s24 =	sadd.s32 $0x3000, s4;
	s20 =	simm.s32 $0x8700;
	[dreg:$0x8] =	wrdreg s23  }
0x15: {  	v0 =	vand.u32 $0x7, v2;
	v2 =	vor.u32 $0x8, v2;
	v1 =	vmul.u32 $0x8, v1;
	[dreg:$0x9] =	wrdreg s24;
	s22 =	simm.s32 $0xAF00;
	s23 =	simm.s32 $0xB700  }
.LBB2_1:
0x16: {  	s24 =	rddreg [dreg:$0x5];
	s0 =	simm.s32 $0x5  }
0x17: {  	[tilespmem:s2], [sflag:$0x5] =	stream.linear.gather [hbm4b:s24+s2], $0x80, $0x38;
	[tilespmem:$0x10700] =	vst v63  }
0x18: {  	_ =	swait.ge [sflag:s0], $0x80  }
0x19: {  	s1 =	rddreg [dreg:$0x6];
	[sflag:s0] =	ssyncset.done $0x0  }
0x1a: {  	s25 =	rddreg [dreg:$0xa];
	[sflag:s0] =	ssyncadd.s32 $0xFFFFFF80  }
0x1b: {  	[tilespmem:s25], [sflag:$0x5] =	stream.linear.gather [hbm4b:s1+s2], $0x80, $0x38;
	[tilespmem:$0x10700] =	vst v63  }
0x1c: {  	_ =	swait.ge [sflag:s0], $0x80  }
0x1d: {  	s4 =	rddreg [dreg:$0x4];
	[sflag:s0] =	ssyncset.done $0x0  }
0x1e: {  	s9 =	rddreg [dreg:$0xb];
	[sflag:s0] =	ssyncadd.s32 $0xFFFFFF80  }
0x1f: {  	[tilespmem:s9], [sflag:$0x5] =	stream.linear.gather [hbm4b:s4+s2], $0x400, $0x38;
	[tilespmem:$0x10700] =	vst v63  }
0x20: {  	_ =	swait.ge [sflag:s0], $0x400  }
0x21: {  	[sflag:s0] =	ssyncset.done $0x0  }
0x22: {  	[sflag:s0] =	ssyncadd.s32 $0xFFFFFC00  }
0x23: {  	v8 =	vld [tilespmem:$0x100]  }
0x24: {  	v9 =	vld [tilespmem:$0x0]  }
0x25: {  	v10 =	vld [tilespmem:$0x180]  }
0x26: {  	v11 =	vld [tilespmem:$0x200]  }
0x27: {  	v7 =	vld [tilespmem:$0x280]  }
0x28: {  	v6 =	vld [tilespmem:$0x300]  }
0x29: {  	v5 =	vld [tilespmem:$0x380];
	vm1 =	veq.s32 v9, $0x0  }
0x2a: {  	v12 =	vld [tilespmem:$0x10];
	v3 =	vnsel vm1, $0x0, v8;
	vm1 =	veq.s32 v9, $0x1  }
0x2b: {  	v28 =	vld [tilespmem:$0x480];
	v4 =	vsel vm1, v10, v3;
	vm1 =	veq.s32 v9, $0x2  }
0x2c: {  	v3 =	vld [tilespmem:$0x400];
	v4 =	vsel vm1, v11, v4;
	vm1 =	veq.s32 v9, $0x3  }
0x2d: {  	v14 =	vld [tilespmem:$0x20];
	v13 =	vsel vm1, v7, v4;
	vm1 =	veq.s32 v9, $0x4  }
0x2e: {  	v13 =	vsel vm1, v6, v13;
	vm1 =	veq.s32 v9, $0x5  }
0x2f: {  	v13 =	vsel vm1, v5, v13;
	vm1 =	veq.s32 v12, $0x0  }
0x30: {  	v22 =	vld [tilespmem:$0x80];
	vm2 =	veq.s32 v9, $0x6;
	v15 =	vnsel vm1, $0x0, v8;
	vm1 =	veq.s32 v12, $0x1  }
0x31: {  	v13 =	vsel vm2, v3, v13;
	vm2 =	veq.s32 v9, $0x7;
	v15 =	vsel vm1, v10, v15  }
0x32: {  	vm1 =	veq.s32 v12, $0x2;
	v13 =	vsel vm2, v28, v13;
	vm2 =	veq.s32 v14, $0x0  }
0x33: {  	v29 =	vsel vm1, v11, v15;
	vm1 =	veq.s32 v12, $0x3;
	v16 =	vnsel vm2, $0x0, v8  }
0x34: {  	vm2 =	veq.s32 v12, $0x6;
	v9 =	vsel vm1, v7, v29;
	vm1 =	veq.s32 v12, $0x4  }
0x35: {  	v30 =	vld [tilespmem:$0x30];
	v13 =	vadd.s32 v22, v13;
	v9 =	vsel vm1, v6, v9;
	vm1 =	veq.s32 v12, $0x5  }
0x36: {  	v45 =	vshll.u32 v13, $0x3;
	v9 =	vsel vm1, v5, v9;
	vm1 =	veq.s32 v14, $0x1  }
0x37: {  	v47 =	vand.u32 $0x7, v13;
	v16 =	vsel vm1, v10, v16;
	vm1 =	veq.s32 v14, $0x2  }
0x38: {  	v9 =	vsel vm2, v3, v9;
	v16 =	vsel vm1, v11, v16;
	vm1 =	veq.s32 v14, $0x3  }
0x39: {  	vm2 =	veq.s32 v12, $0x7;
	v31 =	vsel vm1, v7, v16;
	vm1 =	veq.s32 v14, $0x4  }
0x3a: {  	v9 =	vsel vm2, v28, v9;
	v12 =	vsel vm1, v6, v31;
	vm1 =	veq.s32 v30, $0x0  }
0x3b: {  	v17 =	vld [tilespmem:$0x40];
	vm2 =	veq.s32 v14, $0x5;
	v32 =	vnsel vm1, $0x0, v8;
	vm1 =	veq.s32 v30, $0x1  }
0x3c: {  	v12 =	vsel vm2, v5, v12;
	v16 =	vsel vm1, v10, v32;
	vm1 =	veq.s32 v30, $0x2  }
0x3d: {  	vm2 =	veq.s32 v14, $0x6;
	v16 =	vsel vm1, v11, v16;
	vm1 =	veq.s32 v30, $0x3  }
0x3e: {  	v12 =	vsel vm2, v3, v12;
	v16 =	vsel vm1, v7, v16;
	vm1 =	veq.s32 v30, $0x4  }
0x3f: {  	v34 =	vld [tilespmem:$0x50];
	vm2 =	veq.s32 v14, $0x7;
	v33 =	vsel vm1, v6, v16;
	vm1 =	veq.s32 v30, $0x5  }
0x40: {  	v12 =	vsel vm2, v28, v12;
	v14 =	vsel vm1, v5, v33;
	vm1 =	veq.s32 v17, $0x0  }
0x41: {  	vm2 =	veq.s32 v30, $0x6;
	v18 =	vnsel vm1, $0x0, v8;
	vm1 =	veq.s32 v17, $0x1  }
0x42: {  	v14 =	vsel vm2, v3, v14;
	v18 =	vsel vm1, v10, v18;
	vm1 =	veq.s32 v17, $0x2  }
0x43: {  	vm2 =	veq.s32 v30, $0x7;
	v35 =	vsel vm1, v11, v18;
	vm1 =	veq.s32 v17, $0x3  }
0x44: {  	v14 =	vsel vm2, v28, v14;
	v15 =	vsel vm1, v7, v35;
	vm1 =	veq.s32 v34, $0x0  }
0x45: {  	v19 =	vld [tilespmem:$0x60];
	vm2 =	veq.s32 v17, $0x4;
	v36 =	vnsel vm1, $0x0, v8;
	vm1 =	veq.s32 v34, $0x1  }
0x46: {  	v20 =	vld [tilespmem:$0x70];
	v15 =	vsel vm2, v6, v15;
	v18 =	vsel vm1, v10, v36;
	vm1 =	veq.s32 v34, $0x2  }
0x47: {  	vm2 =	veq.s32 v17, $0x5;
	v18 =	vsel vm1, v11, v18;
	vm1 =	veq.s32 v34, $0x3  }
0x48: {  	v37 =	vld [tilespmem:$0x90];
	v15 =	vsel vm2, v5, v15;
	v18 =	vsel vm1, v7, v18;
	vm1 =	veq.s32 v34, $0x4  }
0x49: {  	v39 =	vld [tilespmem:$0xB0];
	vm2 =	veq.s32 v17, $0x6;
	v18 =	vsel vm1, v6, v18;
	vm1 =	veq.s32 v34, $0x5  }
0x4a: {  	v15 =	vsel vm2, v3, v15;
	v18 =	vsel vm1, v5, v18;
	vm1 =	veq.s32 v19, $0x0  }
0x4b: {  	vm2 =	veq.s32 v20, $0x0;
	v21 =	vnsel vm1, $0x0, v8;
	vm1 =	veq.s32 v19, $0x1  }
0x4c: {  	v8 =	vnsel vm2, $0x0, v8;
	v21 =	vsel vm1, v10, v21;
	vm1 =	veq.s32 v20, $0x1  }
0x4d: {  	v38 =	vld [tilespmem:$0xA0];
	v9 =	vadd.s32 v37, v9;
	v8 =	vsel vm1, v10, v8;
	vm1 =	veq.s32 v34, $0x6  }
0x4e: {  	v43 =	vld [tilespmem:$0xC0];
	v44 =	vadd.s32 v39, v14;
	v18 =	vsel vm1, v3, v18;
	vm1 =	veq.s32 v19, $0x2  }
0x4f: {  	vm2 =	veq.s32 v17, $0x7;
	v21 =	vsel vm1, v11, v21;
	vm1 =	veq.s32 v20, $0x2  }
0x50: {  	v15 =	vsel vm2, v28, v15;
	v8 =	vsel vm1, v11, v8;
	vm1 =	veq.s32 v19, $0x3  }
0x51: {  	vm2 =	veq.s32 v34, $0x7;
	v41 =	vsel vm1, v7, v21;
	vm1 =	veq.s32 v19, $0x4  }
0x52: {  	v10 =	vadd.s32 v38, v12;
	v42 =	vsel vm1, v6, v41;
	vm1 =	veq.s32 v20, $0x3  }
0x53: {  	v52 =	vadd.s32 v43, v15;
	v7 =	vsel vm1, v7, v8;
	vm1 =	veq.s32 v20, $0x4  }
0x54: {  	v46 =	vld [tilespmem:$0xD0];
	v6 =	vsel vm1, v6, v7;
	vm1 =	veq.s32 v19, $0x5;
	v7 =	vand.u32 $0xFFFFFFC0, v45  }
0x55: {  	v48 =	vld [tilespmem:$0xE0];
	[tilespmem:$0x500] =	vst v13;
	v7 =	vor.u32 v47, v7;
	v49 =	vsel vm1, v5, v42;
	vm1 =	veq.s32 v20, $0x5  }
0x56: {  	v50 =	vld [tilespmem:$0xF0];
	[tilespmem:$0x510] =	vst v9;
	v5 =	vsel vm1, v5, v6;
	vm1 =	veq.s32 v19, $0x6;
	v51 =	vperm.xlane v7, v0  }
0x57: {  	[tilespmem:$0x590] =	vst v44;
	v40 =	vsel vm2, v28, v18;
	v53 =	vsel vm1, v3, v49;
	vm1 =	veq.s32 v19, $0x7  }
0x58: {  	[tilespmem:$0x580] =	vst v10;
	v54 =	vsel vm1, v28, v53;
	vm1 =	veq.s32 v20, $0x6;
	v9 =	vadd.s32 v1, v51  }
0x59: {  	[tilespmem:$0x600] =	vst v52;
	v55 =	vadd.s32 v46, v40;
	v3 =	vsel vm1, v3, v5;
	vm1 =	veq.s32 v20, $0x7  }
0x5a: {  	[tilespmem:$0x610] =	vst v55;
	v56 =	vadd.s32 v48, v54;
	v3 =	vsel vm1, v28, v3  }
0x5b: {  	[tilespmem:$0x680] =	vst v56;
	v3 =	vadd.s32 v50, v3  }
0x5c: {  	[tilespmem:$0x690] =	vst v3  }
0x5d: {  	[tilespmem:s26], [sflag:$0x1] =	stream.indirect_vreg.gather [hbm4b:s3+s2], $0x80, v9, vm0, $0xb8;
	[tilespmem:$0x10700] =	vst v63  }
0x5e: {  	s24 =	simm.s32 $0xF00;
	v3 =	vperm.xlane v7, v2  }
0x5f: {  	[tilespmem:s24], [sflag:$0x1] =	stream.indirect_vreg.gather [hbm4b:s5+s2], $0x80, v9, vm0, $0xb8;
	[tilespmem:$0x10700] =	vst v63  }
0x60: {  	s25 =	simm.s32 $0x1700;
	v3 =	vadd.s32 v1, v3  }
0x61: {  	[tilespmem:s25], [sflag:$0x1] =	stream.indirect_vreg.gather [hbm4b:s6+s2], $0x80, v9, vm0, $0xb8;
	[tilespmem:$0x10700] =	vst v63  }
0x62: {  	_ = 	snop  }
0x63: {  	[tilespmem:s28], [sflag:$0x1] =	stream.indirect_vreg.gather [hbm4b:s7+s2], $0x80, v9, vm0, $0xb8;
	[tilespmem:$0x10700] =	vst v63  }
0x64: {  	_ = 	snop  }
0x65: {  	[tilespmem:s29], [sflag:$0x1] =	stream.indirect_vreg.gather [hbm4b:s3+s2], $0x80, v3, vm0, $0xb8;
	[tilespmem:$0x10700] =	vst v63  }
0x66: {  	_ = 	snop  }
0x67: {  	[tilespmem:s30], [sflag:$0x1] =	stream.indirect_vreg.gather [hbm4b:s5+s2], $0x80, v3, vm0, $0xb8;
	[tilespmem:$0x10700] =	vst v63  }
0x68: {  	_ = 	snop  }
0x69: {  	[tilespmem:s31], [sflag:$0x1] =	stream.indirect_vreg.gather [hbm4b:s6+s2], $0x80, v3, vm0, $0xb8;
	[tilespmem:$0x10700] =	vst v63  }
0x6a: {  	s9 =	simm.s32 $0x3F00  }
0x6b: {  	[tilespmem:s9], [sflag:$0x1] =	stream.indirect_vreg.gather [hbm4b:s7+s2], $0x80, v3, vm0, $0xb8;
	[tilespmem:$0x10700] =	vst v63  }
0x6c: {  	v3 =	vld [tilespmem:$0x510];
	_ =	sdelay $0x4  }
0x6d: {  	v57 =	vshll.u32 v3, $0x3  }
0x6e: {  	v3 =	vand.u32 $0x7, v3;
	v4 =	vand.u32 $0xFFFFFFC0, v57  }
0x6f: {  	v3 =	vor.u32 v3, v4  }
0x70: {  	v4 =	vperm.xlane v3, v0;
	_ =	sdelay $0x1  }
0x71: {  	v4 =	vadd.s32 v1, v4;
	_ =	sdelay $0x3  }
0x72: {  	s1 =	simm.s32 $0x4700  }
0x73: {  	[tilespmem:s1], [sflag:$0x1] =	stream.indirect_vreg.gather [hbm4b:s3+s2], $0x80, v4, vm0, $0xb8;
	[tilespmem:$0x10700] =	vst v63  }
0x74: {  	v3 =	vperm.xlane v3, v2  }
0x75: {  	[tilespmem:s11], [sflag:$0x1] =	stream.indirect_vreg.gather [hbm4b:s5+s2], $0x80, v4, vm0, $0xb8;
	[tilespmem:$0x10700] =	vst v63  }
0x76: {  	s4 =	simm.s32 $0x5700;
	v3 =	vadd.s32 v1, v3  }
0x77: {  	[tilespmem:s4], [sflag:$0x1] =	stream.indirect_vreg.gather [hbm4b:s6+s2], $0x80, v4, vm0, $0xb8;
	[tilespmem:$0x10700] =	vst v63  }
0x78: {  	_ = 	snop  }
0x79: {  	[tilespmem:s13], [sflag:$0x1] =	stream.indirect_vreg.gather [hbm4b:s7+s2], $0x80, v4, vm0, $0xb8;
	[tilespmem:$0x10700] =	vst v63  }
0x7a: {  	_ = 	snop  }
0x7b: {  	[tilespmem:s14], [sflag:$0x1] =	stream.indirect_vreg.gather [hbm4b:s3+s2], $0x80, v3, vm0, $0xb8;
	[tilespmem:$0x10700] =	vst v63  }
0x7c: {  	_ = 	snop  }
0x7d: {  	[tilespmem:s15], [sflag:$0x1] =	stream.indirect_vreg.gather [hbm4b:s5+s2], $0x80, v3, vm0, $0xb8;
	[tilespmem:$0x10700] =	vst v63  }
0x7e: {  	_ = 	snop  }
0x7f: {  	[tilespmem:s16], [sflag:$0x1] =	stream.indirect_vreg.gather [hbm4b:s6+s2], $0x80, v3, vm0, $0xb8;
	[tilespmem:$0x10700] =	vst v63  }
0x80: {  	_ = 	snop  }
0x81: {  	[tilespmem:s17], [sflag:$0x1] =	stream.indirect_vreg.gather [hbm4b:s7+s2], $0x80, v3, vm0, $0xb8;
	[tilespmem:$0x10700] =	vst v63  }
0x82: {  	v3 =	vld [tilespmem:$0x580];
	_ =	sdelay $0x4  }
0x83: {  	v58 =	vshll.u32 v3, $0x3  }
0x84: {  	v3 =	vand.u32 $0x7, v3;
	v4 =	vand.u32 $0xFFFFFFC0, v58  }
0x85: {  	v3 =	vor.u32 v3, v4  }
0x86: {  	v4 =	vperm.xlane v3, v0;
	_ =	sdelay $0x1  }
0x87: {  	v4 =	vadd.s32 v1, v4;
	_ =	sdelay $0x4  }
0x88: {  	[tilespmem:s20], [sflag:$0x2] =	stream.indirect_vreg.gather [hbm4b:s3+s2], $0x80, v4, vm0, $0xb8;
	[tilespmem:$0x10700] =	vst v63  }
0x89: {  	v3 =	vperm.xlane v3, v2  }
0x8a: {  	[tilespmem:s18], [sflag:$0x2] =	stream.indirect_vreg.gather [hbm4b:s5+s2], $0x80, v4, vm0, $0xb8;
	[tilespmem:$0x10700] =	vst v63  }
0x8b: {  	v3 =	vadd.s32 v1, v3  }
0x8c: {  	[tilespmem:s19], [sflag:$0x2] =	stream.indirect_vreg.gather [hbm4b:s6+s2], $0x80, v4, vm0, $0xb8;
	[tilespmem:$0x10700] =	vst v63  }
0x8d: {  	_ = 	snop  }
0x8e: {  	[tilespmem:s10], [sflag:$0x2] =	stream.indirect_vreg.gather [hbm4b:s7+s2], $0x80, v4, vm0, $0xb8;
	[tilespmem:$0x10700] =	vst v63  }
0x8f: {  	_ = 	snop  }
0x90: {  	[tilespmem:s21], [sflag:$0x2] =	stream.indirect_vreg.gather [hbm4b:s3+s2], $0x80, v3, vm0, $0xb8;
	[tilespmem:$0x10700] =	vst v63  }
0x91: {  	_ = 	snop  }
0x92: {  	[tilespmem:s22], [sflag:$0x2] =	stream.indirect_vreg.gather [hbm4b:s5+s2], $0x80, v3, vm0, $0xb8;
	[tilespmem:$0x10700] =	vst v63  }
0x93: {  	_ = 	snop  }
0x94: {  	[tilespmem:s23], [sflag:$0x2] =	stream.indirect_vreg.gather [hbm4b:s6+s2], $0x80, v3, vm0, $0xb8;
	[tilespmem:$0x10700] =	vst v63  }
0x95: {  	s12 =	simm.s32 $0xBF00  }
0x96: {  	[tilespmem:s12], [sflag:$0x2] =	stream.indirect_vreg.gather [hbm4b:s7+s2], $0x80, v3, vm0, $0xb8;
	[tilespmem:$0x10700] =	vst v63  }
0x97: {  	v3 =	vld [tilespmem:$0x590];
	_ =	sdelay $0x4  }
0x98: {  	v59 =	vshll.u32 v3, $0x3  }
0x99: {  	v3 =	vand.u32 $0x7, v3;
	v4 =	vand.u32 $0xFFFFFFC0, v59  }
0x9a: {  	v3 =	vor.u32 v3, v4  }
0x9b: {  	v4 =	vperm.xlane v3, v0;
	_ =	sdelay $0x1  }
0x9c: {  	v4 =	vadd.s32 v1, v4;
	_ =	sdelay $0x3  }
0x9d: {  	s12 =	simm.s32 $0xC700  }
0x9e: {  	[tilespmem:s12], [sflag:$0x2] =	stream.indirect_vreg.gather [hbm4b:s3+s2], $0x80, v4, vm0, $0xb8;
	[tilespmem:$0x10700] =	vst v63  }
0x9f: {  	v3 =	vperm.xlane v3, v2;
	s12 =	simm.s32 $0xCF00  }
0xa0: {  	[tilespmem:s12], [sflag:$0x2] =	stream.indirect_vreg.gather [hbm4b:s5+s2], $0x80, v4, vm0, $0xb8;
	[tilespmem:$0x10700] =	vst v63  }
0xa1: {  	v3 =	vadd.s32 v1, v3;
	s12 =	simm.s32 $0xD700  }
0xa2: {  	[tilespmem:s12], [sflag:$0x2] =	stream.indirect_vreg.gather [hbm4b:s6+s2], $0x80, v4, vm0, $0xb8;
	[tilespmem:$0x10700] =	vst v63  }
0xa3: {  	s12 =	simm.s32 $0xDF00  }
0xa4: {  	[tilespmem:s12], [sflag:$0x2] =	stream.indirect_vreg.gather [hbm4b:s7+s2], $0x80, v4, vm0, $0xb8;
	[tilespmem:$0x10700] =	vst v63  }
0xa5: {  	s12 =	simm.s32 $0xE700  }
0xa6: {  	[tilespmem:s12], [sflag:$0x2] =	stream.indirect_vreg.gather [hbm4b:s3+s2], $0x80, v3, vm0, $0xb8;
	[tilespmem:$0x10700] =	vst v63  }
0xa7: {  	s12 =	simm.s32 $0xEF00  }
0xa8: {  	[tilespmem:s12], [sflag:$0x2] =	stream.indirect_vreg.gather [hbm4b:s5+s2], $0x80, v3, vm0, $0xb8;
	[tilespmem:$0x10700] =	vst v63  }
0xa9: {  	s12 =	simm.s32 $0xF700  }
0xaa: {  	[tilespmem:s12], [sflag:$0x2] =	stream.indirect_vreg.gather [hbm4b:s6+s2], $0x80, v3, vm0, $0xb8;
	[tilespmem:$0x10700] =	vst v63  }
0xab: {  	s0 =	simm.s32 $0x1;
	s12 =	simm.s32 $0xFF00  }
0xac: {  	[tilespmem:s12], [sflag:$0x2] =	stream.indirect_vreg.gather [hbm4b:s7+s2], $0x80, v3, vm0, $0xb8;
	[tilespmem:$0x10700] =	vst v63  }
0xad: {  	_ =	swait.ge [sflag:s0], $0x8000  }
0xae: {  	[sflag:s0] =	ssyncset.done $0x0  }
0xaf: {  	s12 =	rddreg [dreg:$0xc];
	[sflag:s0] =	ssyncadd.s32 $0xFFFF8000  }
0xb0: {  	[hbm4b:s12+s2] =	stream.linear.scatter [tilespmem:s26], [sflag:$0x3], $0x8000, $0x38;
	[tilespmem:$0x10700] =	vst v63  }
0xb1: {  	s12 =	simm.s32 $0x3  }
0xb2: {  	_ =	swait.ge [sflag:s12], $0x8000  }
0xb3: {  	[sflag:s12] =	ssyncset.done $0x0  }
0xb4: {  	[sflag:s12] =	ssyncadd.s32 $0xFFFF8000  }
0xb5: {  	v3 =	vld [tilespmem:$0x600];
	_ =	sdelay $0x4  }
0xb6: {  	v60 =	vshll.u32 v3, $0x3  }
0xb7: {  	v3 =	vand.u32 $0x7, v3;
	v4 =	vand.u32 $0xFFFFFFC0, v60  }
0xb8: {  	v3 =	vor.u32 v3, v4  }
0xb9: {  	v4 =	vperm.xlane v3, v0;
	_ =	sdelay $0x1  }
0xba: {  	v4 =	vadd.s32 v1, v4;
	_ =	sdelay $0x4  }
0xbb: {  	[tilespmem:s26], [sflag:$0x1] =	stream.indirect_vreg.gather [hbm4b:s3+s2], $0x80, v4, vm0, $0xb8;
	[tilespmem:$0x10700] =	vst v63  }
0xbc: {  	v3 =	vperm.xlane v3, v2  }
0xbd: {  	[tilespmem:s24], [sflag:$0x1] =	stream.indirect_vreg.gather [hbm4b:s5+s2], $0x80, v4, vm0, $0xb8;
	[tilespmem:$0x10700] =	vst v63  }
0xbe: {  	v3 =	vadd.s32 v1, v3  }
0xbf: {  	[tilespmem:s25], [sflag:$0x1] =	stream.indirect_vreg.gather [hbm4b:s6+s2], $0x80, v4, vm0, $0xb8;
	[tilespmem:$0x10700] =	vst v63  }
0xc0: {  	_ = 	snop  }
0xc1: {  	[tilespmem:s28], [sflag:$0x1] =	stream.indirect_vreg.gather [hbm4b:s7+s2], $0x80, v4, vm0, $0xb8;
	[tilespmem:$0x10700] =	vst v63  }
0xc2: {  	_ = 	snop  }
0xc3: {  	[tilespmem:s29], [sflag:$0x1] =	stream.indirect_vreg.gather [hbm4b:s3+s2], $0x80, v3, vm0, $0xb8;
	[tilespmem:$0x10700] =	vst v63  }
0xc4: {  	_ = 	snop  }
0xc5: {  	[tilespmem:s30], [sflag:$0x1] =	stream.indirect_vreg.gather [hbm4b:s5+s2], $0x80, v3, vm0, $0xb8;
	[tilespmem:$0x10700] =	vst v63  }
0xc6: {  	_ = 	snop  }
0xc7: {  	[tilespmem:s31], [sflag:$0x1] =	stream.indirect_vreg.gather [hbm4b:s6+s2], $0x80, v3, vm0, $0xb8;
	[tilespmem:$0x10700] =	vst v63  }
0xc8: {  	_ = 	snop  }
0xc9: {  	[tilespmem:s9], [sflag:$0x1] =	stream.indirect_vreg.gather [hbm4b:s7+s2], $0x80, v3, vm0, $0xb8;
	[tilespmem:$0x10700] =	vst v63  }
0xca: {  	v3 =	vld [tilespmem:$0x610];
	_ =	sdelay $0x4  }
0xcb: {  	v61 =	vshll.u32 v3, $0x3  }
0xcc: {  	v3 =	vand.u32 $0x7, v3;
	v4 =	vand.u32 $0xFFFFFFC0, v61  }
0xcd: {  	v3 =	vor.u32 v3, v4  }
0xce: {  	v4 =	vperm.xlane v3, v0;
	_ =	sdelay $0x1  }
0xcf: {  	v4 =	vadd.s32 v1, v4;
	_ =	sdelay $0x4  }
0xd0: {  	[tilespmem:s1], [sflag:$0x1] =	stream.indirect_vreg.gather [hbm4b:s3+s2], $0x80, v4, vm0, $0xb8;
	[tilespmem:$0x10700] =	vst v63  }
0xd1: {  	v3 =	vperm.xlane v3, v2  }
0xd2: {  	[tilespmem:s11], [sflag:$0x1] =	stream.indirect_vreg.gather [hbm4b:s5+s2], $0x80, v4, vm0, $0xb8;
	[tilespmem:$0x10700] =	vst v63  }
0xd3: {  	v3 =	vadd.s32 v1, v3  }
0xd4: {  	[tilespmem:s4], [sflag:$0x1] =	stream.indirect_vreg.gather [hbm4b:s6+s2], $0x80, v4, vm0, $0xb8;
	[tilespmem:$0x10700] =	vst v63  }
0xd5: {  	_ = 	snop  }
0xd6: {  	[tilespmem:s13], [sflag:$0x1] =	stream.indirect_vreg.gather [hbm4b:s7+s2], $0x80, v4, vm0, $0xb8;
	[tilespmem:$0x10700] =	vst v63  }
0xd7: {  	_ = 	snop  }
0xd8: {  	[tilespmem:s14], [sflag:$0x1] =	stream.indirect_vreg.gather [hbm4b:s3+s2], $0x80, v3, vm0, $0xb8;
	[tilespmem:$0x10700] =	vst v63  }
0xd9: {  	_ = 	snop  }
0xda: {  	[tilespmem:s15], [sflag:$0x1] =	stream.indirect_vreg.gather [hbm4b:s5+s2], $0x80, v3, vm0, $0xb8;
	[tilespmem:$0x10700] =	vst v63  }
0xdb: {  	_ = 	snop  }
0xdc: {  	[tilespmem:s16], [sflag:$0x1] =	stream.indirect_vreg.gather [hbm4b:s6+s2], $0x80, v3, vm0, $0xb8;
	[tilespmem:$0x10700] =	vst v63  }
0xdd: {  	s1 =	simm.s32 $0x2  }
0xde: {  	[tilespmem:s17], [sflag:$0x1] =	stream.indirect_vreg.gather [hbm4b:s7+s2], $0x80, v3, vm0, $0xb8;
	[tilespmem:$0x10700] =	vst v63  }
0xdf: {  	_ =	swait.ge [sflag:s1], $0x8000  }
0xe0: {  	[sflag:s1] =	ssyncset.done $0x0  }
0xe1: {  	s4 =	simm.s32 $0x4;
	s9 =	rddreg [dreg:$0x7];
	[sflag:s1] =	ssyncadd.s32 $0xFFFF8000  }
0xe2: {  	[hbm4b:s9+s2] =	stream.linear.scatter [tilespmem:s20], [sflag:$0x4], $0x8000, $0x38;
	[tilespmem:$0x10700] =	vst v63  }
0xe3: {  	_ =	swait.ge [sflag:s4], $0x8000  }
0xe4: {  	[sflag:s4] =	ssyncset.done $0x0  }
0xe5: {  	[sflag:s4] =	ssyncadd.s32 $0xFFFF8000  }
0xe6: {  	v3 =	vld [tilespmem:$0x680];
	_ =	sdelay $0x4  }
0xe7: {  	v62 =	vshll.u32 v3, $0x3  }
0xe8: {  	v3 =	vand.u32 $0x7, v3;
	v4 =	vand.u32 $0xFFFFFFC0, v62  }
0xe9: {  	v3 =	vor.u32 v3, v4  }
0xea: {  	v4 =	vperm.xlane v3, v0;
	_ =	sdelay $0x1  }
0xeb: {  	v4 =	vadd.s32 v1, v4;
	_ =	sdelay $0x4  }
0xec: {  	[tilespmem:s20], [sflag:$0x2] =	stream.indirect_vreg.gather [hbm4b:s3+s2], $0x80, v4, vm0, $0xb8;
	[tilespmem:$0x10700] =	vst v63  }
0xed: {  	v3 =	vperm.xlane v3, v2  }
0xee: {  	[tilespmem:s18], [sflag:$0x2] =	stream.indirect_vreg.gather [hbm4b:s5+s2], $0x80, v4, vm0, $0xb8;
	[tilespmem:$0x10700] =	vst v63  }
0xef: {  	v3 =	vadd.s32 v1, v3  }
0xf0: {  	[tilespmem:s19], [sflag:$0x2] =	stream.indirect_vreg.gather [hbm4b:s6+s2], $0x80, v4, vm0, $0xb8;
	[tilespmem:$0x10700] =	vst v63  }
0xf1: {  	_ = 	snop  }
0xf2: {  	[tilespmem:s10], [sflag:$0x2] =	stream.indirect_vreg.gather [hbm4b:s7+s2], $0x80, v4, vm0, $0xb8;
	[tilespmem:$0x10700] =	vst v63  }
0xf3: {  	_ = 	snop  }
0xf4: {  	[tilespmem:s21], [sflag:$0x2] =	stream.indirect_vreg.gather [hbm4b:s3+s2], $0x80, v3, vm0, $0xb8;
	[tilespmem:$0x10700] =	vst v63  }
0xf5: {  	_ = 	snop  }
0xf6: {  	[tilespmem:s22], [sflag:$0x2] =	stream.indirect_vreg.gather [hbm4b:s5+s2], $0x80, v3, vm0, $0xb8;
	[tilespmem:$0x10700] =	vst v63  }
0xf7: {  	_ = 	snop  }
0xf8: {  	[tilespmem:s23], [sflag:$0x2] =	stream.indirect_vreg.gather [hbm4b:s6+s2], $0x80, v3, vm0, $0xb8;
	[tilespmem:$0x10700] =	vst v63  }
0xf9: {  	s25 =	simm.s32 $0xBF00  }
0xfa: {  	[tilespmem:s25], [sflag:$0x2] =	stream.indirect_vreg.gather [hbm4b:s7+s2], $0x80, v3, vm0, $0xb8;
	[tilespmem:$0x10700] =	vst v63  }
0xfb: {  	v3 =	vld [tilespmem:$0x690];
	_ =	sdelay $0x4  }
0xfc: {  	v63 =	vshll.u32 v3, $0x3  }
0xfd: {  	v3 =	vand.u32 $0x7, v3;
	v4 =	vand.u32 $0xFFFFFFC0, v63  }
0xfe: {  	v3 =	vor.u32 v3, v4  }
0xff: {  	v4 =	vperm.xlane v3, v0;
	_ =	sdelay $0x1  }
0x100: {  	v4 =	vadd.s32 v1, v4;
	_ =	sdelay $0x3  }
0x101: {  	s24 =	simm.s32 $0xC700  }
0x102: {  	[tilespmem:s24], [sflag:$0x2] =	stream.indirect_vreg.gather [hbm4b:s3+s2], $0x80, v4, vm0, $0xb8;
	[tilespmem:$0x10700] =	vst v63  }
0x103: {  	s25 =	simm.s32 $0xCF00;
	v3 =	vperm.xlane v3, v2  }
0x104: {  	[tilespmem:s25], [sflag:$0x2] =	stream.indirect_vreg.gather [hbm4b:s5+s2], $0x80, v4, vm0, $0xb8;
	[tilespmem:$0x10700] =	vst v63  }
0x105: {  	v3 =	vadd.s32 v1, v3;
	s24 =	simm.s32 $0xD700  }
0x106: {  	[tilespmem:s24], [sflag:$0x2] =	stream.indirect_vreg.gather [hbm4b:s6+s2], $0x80, v4, vm0, $0xb8;
	[tilespmem:$0x10700] =	vst v63  }
0x107: {  	s25 =	simm.s32 $0xDF00  }
0x108: {  	[tilespmem:s25], [sflag:$0x2] =	stream.indirect_vreg.gather [hbm4b:s7+s2], $0x80, v4, vm0, $0xb8;
	[tilespmem:$0x10700] =	vst v63  }
0x109: {  	s24 =	simm.s32 $0xE700  }
0x10a: {  	[tilespmem:s24], [sflag:$0x2] =	stream.indirect_vreg.gather [hbm4b:s3+s2], $0x80, v3, vm0, $0xb8;
	[tilespmem:$0x10700] =	vst v63  }
0x10b: {  	s25 =	simm.s32 $0xEF00  }
0x10c: {  	[tilespmem:s25], [sflag:$0x2] =	stream.indirect_vreg.gather [hbm4b:s5+s2], $0x80, v3, vm0, $0xb8;
	[tilespmem:$0x10700] =	vst v63  }
0x10d: {  	s24 =	simm.s32 $0xF700  }
0x10e: {  	[tilespmem:s24], [sflag:$0x2] =	stream.indirect_vreg.gather [hbm4b:s6+s2], $0x80, v3, vm0, $0xb8;
	[tilespmem:$0x10700] =	vst v63  }
0x10f: {  	s25 =	simm.s32 $0xFF00  }
0x110: {  	[tilespmem:s25], [sflag:$0x2] =	stream.indirect_vreg.gather [hbm4b:s7+s2], $0x80, v3, vm0, $0xb8;
	[tilespmem:$0x10700] =	vst v63  }
0x111: {  	_ =	swait.ge [sflag:s0], $0x8000  }
0x112: {  	[sflag:s0] =	ssyncset.done $0x0  }
0x113: {  	s9 =	rddreg [dreg:$0x8];
	[sflag:s0] =	ssyncadd.s32 $0xFFFF8000  }
0x114: {  	[hbm4b:s9+s2] =	stream.linear.scatter [tilespmem:s26], [sflag:$0x3], $0x8000, $0x38;
	[tilespmem:$0x10700] =	vst v63  }
0x115: {  	_ =	swait.ge [sflag:s12], $0x8000  }
0x116: {  	[sflag:s12] =	ssyncset.done $0x0  }
0x117: {  	[sflag:s12] =	ssyncadd.s32 $0xFFFF8000  }
0x118: {  	_ =	swait.ge [sflag:s1], $0x8000  }
0x119: {  	p0 =	sne.s32 s8, $0x1;
	[sflag:s1] =	ssyncset.done $0x0  }
.Ltmp0:
0x11a: {  	s25 =	rddreg [dreg:$0x9];
	[sflag:s1] =	ssyncadd.s32 $0xFFFF8000;
	(pc) =	sbr.rel @p0 .LBB2_1-.Ltmp0, $4  }
0x11b: {  	[hbm4b:s25+s2] =	stream.linear.scatter [tilespmem:s20], [sflag:$0x4], $0x8000, $0x38;
	[tilespmem:$0x10700] =	vst v63  }
0x11c: {  	_ =	swait.ge [sflag:s4], $0x8000  }
0x11d: {  	[sflag:s4] =	ssyncset.done $0x0  }
0x11e: {  	s8 =	sadd.s32 $0xFFFFFFFF, s8;
	[sflag:s4] =	ssyncadd.s32 $0xFFFF8000  }
0x11f: {  	_ =	sfence.sel $0x180000  }
0x120: {  	[bflag:$0x0] =	sbarrier.arrive $0xFFFF  }
0x121: {  	_ =	strace $0x9000004A  }
0x122: {  	s0 =	stileid.u32;
	[bflag:$0x2] =	sbarrier.arrive $0xFFFF  }
0x123: {  	p0 =	sne.s32 s0, $0x0;
	s0 =	rddreg [dreg:$0x3]  }
0x124: {  	s0 =	sadd.s32 @!p0 $0x100000, s0  }
0x125: {  	[sflag:s0] =	ssyncadd.tile.s32 @!p0 $0x1;
	_ =	shalt  }
.Lfunc_end2:
_tile_overlayer_lowered:
.L_overlay_start_2:
0x126: {  	(tag) =	ssettag $0x2  }
0x127: {  	s0 =	rddreg [dreg:$0x0];
	s2 =	stileid.u32  }
0x128: {  	s1 =	rddreg [dreg:$0x1];
	p0 =	sne.s32 s2, $0x0  }
0x129: {  	s3 =	rddreg [dreg:$0x2];
	[bflag:$0x3] =	sbarrier.arrive $0xFFFF;
	s2 =	simm.s32 @!p0 $0x1C05  }
0x12a: {  	[timem:s3], [sflag:s2] =	dma.local @!p0 [hbm:s0], s1  }
0x12b: {  	s0 =	simm.s32 @!p0 $0x5  }
0x12c: {  	_ =	swait.ge @!p0 [sflag:s0], s1  }
0x12d: {  	s1 =	ssub.s32 @!p0 $0x0, s1;
	[sflag:s0] =	ssyncset.done @!p0 $0x0  }
0x12e: {  	[sflag:s0] =	ssyncadd.s32 @!p0 s1  }
0x12f: {  	[bflag:$0x3] =	sbarrier.arrive $0xFFFF  }
0x130: {  	_ =	shalt  }

</sc_bundles>
